<compile_context>
chip_gen: v7x
topology: tpu7x:2x2x1
jax: 0.10.2.dev20260603
libtpu: 0.0.44.dev20260713+nightly
codegen_flags: <defaults>
</compile_context>

<pallas_src>
import functools

import jax
import jax.numpy as jnp
from jax import lax
from jax.experimental import pallas as pl
from jax.experimental.pallas import tpu as pltpu
from jax.experimental.pallas import tpu_sc as plsc

_L = 16


@functools.lru_cache(maxsize=None)
def _build(B, D):
    info = plsc.get_sparse_core_info()
    NC, NS = info.num_cores, info.num_subcores
    NW = NC * NS
    assert B % NW == 0 and D % _L == 0
    BPW = B // NW
    CH = 128
    NCH = BPW // CH
    NDC = D // _L
    assert BPW % CH == 0 and BPW % _L == 0

    mesh = plsc.VectorSubcoreMesh(core_axis_name="c", subcore_axis_name="s")
    cparams = pltpu.CompilerParams(
        needs_layout_passes=False, use_tc_tiling_on_sc=False
    )

    @functools.partial(
        pl.kernel,
        out_type=jax.ShapeDtypeStruct((B,), jnp.float32),
        mesh=mesh,
        compiler_params=cparams,
        scratch_types=[
            pltpu.VMEM((BPW,), jnp.int32),
            pltpu.VMEM((BPW,), jnp.int32),
            pltpu.VMEM((BPW, D), jnp.float32),
            pltpu.VMEM((BPW, D), jnp.float32),
            pltpu.VMEM((BPW,), jnp.float32),
            pltpu.VMEM((BPW,), jnp.float32),
            pltpu.VMEM((BPW,), jnp.float32),
            pltpu.VMEM((_L,), jnp.float32),
            pltpu.SemaphoreType.DMA,
        ],
    )
    def mf(uids_hbm, iids_hbm, utab_hbm, itab_hbm, ub_hbm, ib_hbm, gb_hbm,
           out_hbm, uid_v, iid_v, urows, irows, ubr, ibr, out_v, gb_v, sem):
        wid = lax.axis_index("s") * NC + lax.axis_index("c")
        base = wid * BPW
        pltpu.sync_copy(gb_hbm, gb_v)
        pltpu.sync_copy(uids_hbm.at[pl.ds(base, BPW)], uid_v)
        pltpu.sync_copy(iids_hbm.at[pl.ds(base, BPW)], iid_v)
        copies = []
        for k in range(NCH):
            sl = pl.ds(k * CH, CH)
            copies.append(pltpu.async_copy(utab_hbm.at[uid_v.at[sl]], urows.at[sl], sem))
            copies.append(pltpu.async_copy(itab_hbm.at[iid_v.at[sl]], irows.at[sl], sem))
            copies.append(pltpu.async_copy(ub_hbm.at[uid_v.at[sl]], ubr.at[sl], sem))
            copies.append(pltpu.async_copy(ib_hbm.at[iid_v.at[sl]], ibr.at[sl], sem))
        for c in copies:
            c.wait()

        gbv = gb_v[pl.ds(0, _L)]
        lane = lax.iota(jnp.int32, _L)

        def group(g, carry):
            rbase = g * _L
            acc = ubr[pl.ds(rbase, _L)] + ibr[pl.ds(rbase, _L)] + gbv
            for j in range(_L):
                r = rbase + j
                s = urows[r, pl.ds(0, _L)] * irows[r, pl.ds(0, _L)]
                for cidx in range(1, NDC):
                    co = cidx * _L
                    s = s + urows[r, pl.ds(co, _L)] * irows[r, pl.ds(co, _L)]
                acc = acc + jnp.where(lane == j, jnp.sum(s), 0.0)
            out_v[pl.ds(rbase, _L)] = acc
            return carry

        lax.fori_loop(0, BPW // _L, group, 0)
        pltpu.sync_copy(out_v, out_hbm.at[pl.ds(base, BPW)])

    return mf


def kernel(user_ids, item_ids, user_table, item_table, user_bias, item_bias,
           global_bias):
    B = user_ids.shape[0]
    mf = _build(B, user_table.shape[1])
    return mf(user_ids.astype(jnp.int32), item_ids.astype(jnp.int32),
              user_table, item_table, user_bias.reshape(-1),
              item_bias.reshape(-1),
              jnp.broadcast_to(global_bias, (_L,)))

# --- scband reference (transcript-rebuilt; emitter-appended) ---
"""Pipeline reference for scband-matrix-factorization-33363305955655 (READ-ONLY COPY).

The authoritative reference and input builder live on the scoring server;
editing this copy changes nothing except your own understanding.
"""

import jax, jax.numpy as jnp
import numpy as np

NUM_USERS = 100000
NUM_ITEMS = 100000
EMB_DIM = 64
BATCH = 16384

def setup_inputs(seed: int = 0) -> dict:
    key = jax.random.key(seed)
    k1, k2, k3, k4 = jax.random.split(key, 4)
    user_ids = jax.random.randint(k1, (BATCH,), 0, NUM_USERS, dtype=jnp.int64 if jax.config.jax_enable_x64 else jnp.int32)
    item_ids = jax.random.randint(k2, (BATCH,), 0, NUM_ITEMS, dtype=jnp.int64 if jax.config.jax_enable_x64 else jnp.int32)
    user_table = jax.random.normal(k3, (NUM_USERS, EMB_DIM), dtype=jnp.float32) * 0.01
    item_table = jax.random.normal(k4, (NUM_ITEMS, EMB_DIM), dtype=jnp.float32) * 0.01
    user_bias = jnp.zeros((NUM_USERS, 1), dtype=jnp.float32)
    item_bias = jnp.zeros((NUM_ITEMS, 1), dtype=jnp.float32)
    global_bias = jnp.zeros((1,), dtype=jnp.float32)
    return {
        "user_ids": user_ids,
        "item_ids": item_ids,
        "user_table": user_table,
        "item_table": item_table,
        "user_bias": user_bias,
        "item_bias": item_bias,
        "global_bias": global_bias,
    }

def reference(user_ids, item_ids, user_table, item_table, user_bias, item_bias, global_bias):
    user_emb = jnp.take(user_table, user_ids, axis=0)          # [B, D]
    item_emb = jnp.take(item_table, item_ids, axis=0)          # [B, D]
    interaction = jnp.sum(user_emb * item_emb, axis=1, keepdims=True)  # [B, 1]
    user_b = jnp.take(user_bias, user_ids, axis=0)             # [B, 1]
    item_b = jnp.take(item_bias, item_ids, axis=0)             # [B, 1]
    prediction = interaction + user_b + item_b + global_bias   # [B, 1]
    return jnp.squeeze(prediction, axis=-1)                    # [B]

if __name__ == "__main__":
    import jax
    _d = setup_inputs()
    print(jax.jit(kernel)(*tuple(_d.values())))

</pallas_src>

<mosaic_0001>
#map = affine_map<(d0, d1) -> (0)>
#map1 = affine_map<(d0, d1) -> (0, 0)>
module attributes {stable_mosaic.version = 14 : i64} {
  func.func @mf(%arg0: i32, %arg1: i32, %arg2: memref<16384xi32, #tpu.memory_space<hbm>>, %arg3: memref<16384xi32, #tpu.memory_space<hbm>>, %arg4: memref<100000x64xf32, #tpu.memory_space<hbm>>, %arg5: memref<100000x64xf32, #tpu.memory_space<hbm>>, %arg6: memref<100000xf32, #tpu.memory_space<hbm>>, %arg7: memref<100000xf32, #tpu.memory_space<hbm>>, %arg8: memref<16xf32, #tpu.memory_space<hbm>>, %arg9: memref<16384xf32, #tpu.memory_space<hbm>>, %arg10: memref<512xi32, #tpu.memory_space<vmem>>, %arg11: memref<512xi32, #tpu.memory_space<vmem>>, %arg12: memref<512x64xf32, #tpu.memory_space<vmem>>, %arg13: memref<512x64xf32, #tpu.memory_space<vmem>>, %arg14: memref<512xf32, #tpu.memory_space<vmem>>, %arg15: memref<512xf32, #tpu.memory_space<vmem>>, %arg16: memref<512xf32, #tpu.memory_space<vmem>>, %arg17: memref<16xf32, #tpu.memory_space<vmem>>, %arg18: memref<!tpu.dma_semaphore, #tpu.memory_space<semaphore_mem>>) attributes {dimension_semantics = [#tpu.dimension_semantics<core_parallel>, #tpu.dimension_semantics<subcore_parallel>], iteration_bounds = array<i64: 2, 16>, scalar_prefetch = 0 : i64, scratch_operands = 9 : i64, tpu.core_type = #tpu.core_type<sc_vector_subcore>, window_params = [{transform_indices = #map}, {transform_indices = #map}, {transform_indices = #map1}, {transform_indices = #map1}, {transform_indices = #map}, {transform_indices = #map}, {transform_indices = #map}, {transform_indices = #map}]} {
    %mul3A = arith.constant 2 : i32
    %mul3A_0 = arith.muli %arg1, %mul3A : i32
    %add3A = arith.addi %mul3A_0, %arg0 : i32
    %mul3A_1 = arith.constant 512 : i32
    %mul3A_2 = arith.muli %add3A, %mul3A_1 : i32
    "tpu.region"() ({
      %run_scoped3A = tpu.sem_alloc : memref<!tpu.dma_semaphore, #tpu.memory_space<semaphore_mem>>
      tpu.enqueue_dma source(%arg8 : memref<16xf32, #tpu.memory_space<hbm>>) target(%arg17 : memref<16xf32, #tpu.memory_space<vmem>>) target_semaphore(%run_scoped3A : memref<!tpu.dma_semaphore, #tpu.memory_space<semaphore_mem>>)
      tpu.wait_dma2 semaphore(%run_scoped3A : memref<!tpu.dma_semaphore, #tpu.memory_space<semaphore_mem>>) src(%arg8 : memref<16xf32, #tpu.memory_space<hbm>>) dst(%arg17 : memref<16xf32, #tpu.memory_space<vmem>>)
      tpu.yield
    }) : () -> ()
    "tpu.region"() ({
      %run_scoped3A = tpu.sem_alloc : memref<!tpu.dma_semaphore, #tpu.memory_space<semaphore_mem>>
      %dma_start3A_231 = tpu.memref_slice %arg2[%mul3A_2] : memref<16384xi32, #tpu.memory_space<hbm>> -> memref<512xi32, #tpu.memory_space<hbm>>
      %dma_start3A_232 = tpu.memref_slice %arg2[%mul3A_2] : memref<16384xi32, #tpu.memory_space<hbm>> -> memref<512xi32, #tpu.memory_space<hbm>>
      tpu.enqueue_dma source(%dma_start3A_232 : memref<512xi32, #tpu.memory_space<hbm>>) target(%arg10 : memref<512xi32, #tpu.memory_space<vmem>>) target_semaphore(%run_scoped3A : memref<!tpu.dma_semaphore, #tpu.memory_space<semaphore_mem>>)
      %dma_wait3A_233 = tpu.memref_slice %arg2[%mul3A_2] : memref<16384xi32, #tpu.memory_space<hbm>> -> memref<512xi32, #tpu.memory_space<hbm>>
      %dma_wait3A_234 = tpu.memref_slice %arg2[%mul3A_2] : memref<16384xi32, #tpu.memory_space<hbm>> -> memref<512xi32, #tpu.memory_space<hbm>>
      tpu.wait_dma2 semaphore(%run_scoped3A : memref<!tpu.dma_semaphore, #tpu.memory_space<semaphore_mem>>) src(%dma_wait3A_234 : memref<512xi32, #tpu.memory_space<hbm>>) dst(%arg10 : memref<512xi32, #tpu.memory_space<vmem>>)
      tpu.yield
    }) : () -> ()
    "tpu.region"() ({
      %run_scoped3A = tpu.sem_alloc : memref<!tpu.dma_semaphore, #tpu.memory_space<semaphore_mem>>
      %dma_start3A_231 = tpu.memref_slice %arg3[%mul3A_2] : memref<16384xi32, #tpu.memory_space<hbm>> -> memref<512xi32, #tpu.memory_space<hbm>>
      %dma_start3A_232 = tpu.memref_slice %arg3[%mul3A_2] : memref<16384xi32, #tpu.memory_space<hbm>> -> memref<512xi32, #tpu.memory_space<hbm>>
      tpu.enqueue_dma source(%dma_start3A_232 : memref<512xi32, #tpu.memory_space<hbm>>) target(%arg11 : memref<512xi32, #tpu.memory_space<vmem>>) target_semaphore(%run_scoped3A : memref<!tpu.dma_semaphore, #tpu.memory_space<semaphore_mem>>)
      %dma_wait3A_233 = tpu.memref_slice %arg3[%mul3A_2] : memref<16384xi32, #tpu.memory_space<hbm>> -> memref<512xi32, #tpu.memory_space<hbm>>
      %dma_wait3A_234 = tpu.memref_slice %arg3[%mul3A_2] : memref<16384xi32, #tpu.memory_space<hbm>> -> memref<512xi32, #tpu.memory_space<hbm>>
      tpu.wait_dma2 semaphore(%run_scoped3A : memref<!tpu.dma_semaphore, #tpu.memory_space<semaphore_mem>>) src(%dma_wait3A_234 : memref<512xi32, #tpu.memory_space<hbm>>) dst(%arg11 : memref<512xi32, #tpu.memory_space<vmem>>)
      tpu.yield
    }) : () -> ()
    %dma_start3A = arith.constant 0 : i32
    %dma_start3A_3 = arith.constant 0 : i32
    %dma_start3A_4 = tpu.memref_slice %arg12[%dma_start3A, %dma_start3A_3] : memref<512x64xf32, #tpu.memory_space<vmem>> -> memref<128x64xf32, #tpu.memory_space<vmem>>
    %dma_start3A_5 = arith.constant 0 : i32
    %dma_start3A_6 = tpu.memref_slice %arg10[%dma_start3A_5] : memref<512xi32, #tpu.memory_space<vmem>> -> memref<128xi32, #tpu.memory_space<vmem>>
    %dma_start3A_7 = arith.constant 0 : i32
    %dma_start3A_8 = arith.constant 0 : i32
    %dma_start3A_9 = tpu.memref_slice %arg4[%dma_start3A_7, %dma_start3A_8] : memref<100000x64xf32, #tpu.memory_space<hbm>> -> memref<100000x64xf32, #tpu.memory_space<hbm>>
    tpu.enqueue_indirect_dma source(%dma_start3A_9 : memref<100000x64xf32, #tpu.memory_space<hbm>>) target(%dma_start3A_4 : memref<128x64xf32, #tpu.memory_space<vmem>>) offsets(%dma_start3A_6 : memref<128xi32, #tpu.memory_space<vmem>>) semaphore(%arg18 : memref<!tpu.dma_semaphore, #tpu.memory_space<semaphore_mem>>)
    %dma_start3A_10 = arith.constant 0 : i32
    %dma_start3A_11 = arith.constant 0 : i32
    %dma_start3A_12 = tpu.memref_slice %arg13[%dma_start3A_10, %dma_start3A_11] : memref<512x64xf32, #tpu.memory_space<vmem>> -> memref<128x64xf32, #tpu.memory_space<vmem>>
    %dma_start3A_13 = arith.constant 0 : i32
    %dma_start3A_14 = tpu.memref_slice %arg11[%dma_start3A_13] : memref<512xi32, #tpu.memory_space<vmem>> -> memref<128xi32, #tpu.memory_space<vmem>>
    %dma_start3A_15 = arith.constant 0 : i32
    %dma_start3A_16 = arith.constant 0 : i32
    %dma_start3A_17 = tpu.memref_slice %arg5[%dma_start3A_15, %dma_start3A_16] : memref<100000x64xf32, #tpu.memory_space<hbm>> -> memref<100000x64xf32, #tpu.memory_space<hbm>>
    tpu.enqueue_indirect_dma source(%dma_start3A_17 : memref<100000x64xf32, #tpu.memory_space<hbm>>) target(%dma_start3A_12 : memref<128x64xf32, #tpu.memory_space<vmem>>) offsets(%dma_start3A_14 : memref<128xi32, #tpu.memory_space<vmem>>) semaphore(%arg18 : memref<!tpu.dma_semaphore, #tpu.memory_space<semaphore_mem>>)
    %dma_start3A_18 = arith.constant 0 : i32
    %dma_start3A_19 = tpu.memref_slice %arg14[%dma_start3A_18] : memref<512xf32, #tpu.memory_space<vmem>> -> memref<128xf32, #tpu.memory_space<vmem>>
    %dma_start3A_20 = arith.constant 0 : i32
    %dma_start3A_21 = tpu.memref_slice %arg10[%dma_start3A_20] : memref<512xi32, #tpu.memory_space<vmem>> -> memref<128xi32, #tpu.memory_space<vmem>>
    %dma_start3A_22 = arith.constant 0 : i32
    %dma_start3A_23 = tpu.memref_slice %arg6[%dma_start3A_22] : memref<100000xf32, #tpu.memory_space<hbm>> -> memref<100000xf32, #tpu.memory_space<hbm>>
    tpu.enqueue_indirect_dma source(%dma_start3A_23 : memref<100000xf32, #tpu.memory_space<hbm>>) target(%dma_start3A_19 : memref<128xf32, #tpu.memory_space<vmem>>) offsets(%dma_start3A_21 : memref<128xi32, #tpu.memory_space<vmem>>) semaphore(%arg18 : memref<!tpu.dma_semaphore, #tpu.memory_space<semaphore_mem>>)
    %dma_start3A_24 = arith.constant 0 : i32
    %dma_start3A_25 = tpu.memref_slice %arg15[%dma_start3A_24] : memref<512xf32, #tpu.memory_space<vmem>> -> memref<128xf32, #tpu.memory_space<vmem>>
    %dma_start3A_26 = arith.constant 0 : i32
    %dma_start3A_27 = tpu.memref_slice %arg11[%dma_start3A_26] : memref<512xi32, #tpu.memory_space<vmem>> -> memref<128xi32, #tpu.memory_space<vmem>>
    %dma_start3A_28 = arith.constant 0 : i32
    %dma_start3A_29 = tpu.memref_slice %arg7[%dma_start3A_28] : memref<100000xf32, #tpu.memory_space<hbm>> -> memref<100000xf32, #tpu.memory_space<hbm>>
    tpu.enqueue_indirect_dma source(%dma_start3A_29 : memref<100000xf32, #tpu.memory_space<hbm>>) target(%dma_start3A_25 : memref<128xf32, #tpu.memory_space<vmem>>) offsets(%dma_start3A_27 : memref<128xi32, #tpu.memory_space<vmem>>) semaphore(%arg18 : memref<!tpu.dma_semaphore, #tpu.memory_space<semaphore_mem>>)
    %dma_start3A_30 = arith.constant 128 : i32
    %dma_start3A_31 = arith.constant 0 : i32
    %dma_start3A_32 = tpu.memref_slice %arg12[%dma_start3A_30, %dma_start3A_31] : memref<512x64xf32, #tpu.memory_space<vmem>> -> memref<128x64xf32, #tpu.memory_space<vmem>>
    %dma_start3A_33 = arith.constant 128 : i32
    %dma_start3A_34 = tpu.memref_slice %arg10[%dma_start3A_33] : memref<512xi32, #tpu.memory_space<vmem>> -> memref<128xi32, #tpu.memory_space<vmem>>
    %dma_start3A_35 = arith.constant 0 : i32
    %dma_start3A_36 = arith.constant 0 : i32
    %dma_start3A_37 = tpu.memref_slice %arg4[%dma_start3A_35, %dma_start3A_36] : memref<100000x64xf32, #tpu.memory_space<hbm>> -> memref<100000x64xf32, #tpu.memory_space<hbm>>
    tpu.enqueue_indirect_dma source(%dma_start3A_37 : memref<100000x64xf32, #tpu.memory_space<hbm>>) target(%dma_start3A_32 : memref<128x64xf32, #tpu.memory_space<vmem>>) offsets(%dma_start3A_34 : memref<128xi32, #tpu.memory_space<vmem>>) semaphore(%arg18 : memref<!tpu.dma_semaphore, #tpu.memory_space<semaphore_mem>>)
    %dma_start3A_38 = arith.constant 128 : i32
    %dma_start3A_39 = arith.constant 0 : i32
    %dma_start3A_40 = tpu.memref_slice %arg13[%dma_start3A_38, %dma_start3A_39] : memref<512x64xf32, #tpu.memory_space<vmem>> -> memref<128x64xf32, #tpu.memory_space<vmem>>
    %dma_start3A_41 = arith.constant 128 : i32
    %dma_start3A_42 = tpu.memref_slice %arg11[%dma_start3A_41] : memref<512xi32, #tpu.memory_space<vmem>> -> memref<128xi32, #tpu.memory_space<vmem>>
    %dma_start3A_43 = arith.constant 0 : i32
    %dma_start3A_44 = arith.constant 0 : i32
    %dma_start3A_45 = tpu.memref_slice %arg5[%dma_start3A_43, %dma_start3A_44] : memref<100000x64xf32, #tpu.memory_space<hbm>> -> memref<100000x64xf32, #tpu.memory_space<hbm>>
    tpu.enqueue_indirect_dma source(%dma_start3A_45 : memref<100000x64xf32, #tpu.memory_space<hbm>>) target(%dma_start3A_40 : memref<128x64xf32, #tpu.memory_space<vmem>>) offsets(%dma_start3A_42 : memref<128xi32, #tpu.memory_space<vmem>>) semaphore(%arg18 : memref<!tpu.dma_semaphore, #tpu.memory_space<semaphore_mem>>)
    %dma_start3A_46 = arith.constant 128 : i32
    %dma_start3A_47 = tpu.memref_slice %arg14[%dma_start3A_46] : memref<512xf32, #tpu.memory_space<vmem>> -> memref<128xf32, #tpu.memory_space<vmem>>
    %dma_start3A_48 = arith.constant 128 : i32
    %dma_start3A_49 = tpu.memref_slice %arg10[%dma_start3A_48] : memref<512xi32, #tpu.memory_space<vmem>> -> memref<128xi32, #tpu.memory_space<vmem>>
    %dma_start3A_50 = arith.constant 0 : i32
    %dma_start3A_51 = tpu.memref_slice %arg6[%dma_start3A_50] : memref<100000xf32, #tpu.memory_space<hbm>> -> memref<100000xf32, #tpu.memory_space<hbm>>
    tpu.enqueue_indirect_dma source(%dma_start3A_51 : memref<100000xf32, #tpu.memory_space<hbm>>) target(%dma_start3A_47 : memref<128xf32, #tpu.memory_space<vmem>>) offsets(%dma_start3A_49 : memref<128xi32, #tpu.memory_space<vmem>>) semaphore(%arg18 : memref<!tpu.dma_semaphore, #tpu.memory_space<semaphore_mem>>)
    %dma_start3A_52 = arith.constant 128 : i32
    %dma_start3A_53 = tpu.memref_slice %arg15[%dma_start3A_52] : memref<512xf32, #tpu.memory_space<vmem>> -> memref<128xf32, #tpu.memory_space<vmem>>
    %dma_start3A_54 = arith.constant 128 : i32
    %dma_start3A_55 = tpu.memref_slice %arg11[%dma_start3A_54] : memref<512xi32, #tpu.memory_space<vmem>> -> memref<128xi32, #tpu.memory_space<vmem>>
    %dma_start3A_56 = arith.constant 0 : i32
    %dma_start3A_57 = tpu.memref_slice %arg7[%dma_start3A_56] : memref<100000xf32, #tpu.memory_space<hbm>> -> memref<100000xf32, #tpu.memory_space<hbm>>
    tpu.enqueue_indirect_dma source(%dma_start3A_57 : memref<100000xf32, #tpu.memory_space<hbm>>) target(%dma_start3A_53 : memref<128xf32, #tpu.memory_space<vmem>>) offsets(%dma_start3A_55 : memref<128xi32, #tpu.memory_space<vmem>>) semaphore(%arg18 : memref<!tpu.dma_semaphore, #tpu.memory_space<semaphore_mem>>)
    %dma_start3A_58 = arith.constant 256 : i32
    %dma_start3A_59 = arith.constant 0 : i32
    %dma_start3A_60 = tpu.memref_slice %arg12[%dma_start3A_58, %dma_start3A_59] : memref<512x64xf32, #tpu.memory_space<vmem>> -> memref<128x64xf32, #tpu.memory_space<vmem>>
    %dma_start3A_61 = arith.constant 256 : i32
    %dma_start3A_62 = tpu.memref_slice %arg10[%dma_start3A_61] : memref<512xi32, #tpu.memory_space<vmem>> -> memref<128xi32, #tpu.memory_space<vmem>>
    %dma_start3A_63 = arith.constant 0 : i32
    %dma_start3A_64 = arith.constant 0 : i32
    %dma_start3A_65 = tpu.memref_slice %arg4[%dma_start3A_63, %dma_start3A_64] : memref<100000x64xf32, #tpu.memory_space<hbm>> -> memref<100000x64xf32, #tpu.memory_space<hbm>>
    tpu.enqueue_indirect_dma source(%dma_start3A_65 : memref<100000x64xf32, #tpu.memory_space<hbm>>) target(%dma_start3A_60 : memref<128x64xf32, #tpu.memory_space<vmem>>) offsets(%dma_start3A_62 : memref<128xi32, #tpu.memory_space<vmem>>) semaphore(%arg18 : memref<!tpu.dma_semaphore, #tpu.memory_space<semaphore_mem>>)
    %dma_start3A_66 = arith.constant 256 : i32
    %dma_start3A_67 = arith.constant 0 : i32
    %dma_start3A_68 = tpu.memref_slice %arg13[%dma_start3A_66, %dma_start3A_67] : memref<512x64xf32, #tpu.memory_space<vmem>> -> memref<128x64xf32, #tpu.memory_space<vmem>>
    %dma_start3A_69 = arith.constant 256 : i32
    %dma_start3A_70 = tpu.memref_slice %arg11[%dma_start3A_69] : memref<512xi32, #tpu.memory_space<vmem>> -> memref<128xi32, #tpu.memory_space<vmem>>
    %dma_start3A_71 = arith.constant 0 : i32
    %dma_start3A_72 = arith.constant 0 : i32
    %dma_start3A_73 = tpu.memref_slice %arg5[%dma_start3A_71, %dma_start3A_72] : memref<100000x64xf32, #tpu.memory_space<hbm>> -> memref<100000x64xf32, #tpu.memory_space<hbm>>
    tpu.enqueue_indirect_dma source(%dma_start3A_73 : memref<100000x64xf32, #tpu.memory_space<hbm>>) target(%dma_start3A_68 : memref<128x64xf32, #tpu.memory_space<vmem>>) offsets(%dma_start3A_70 : memref<128xi32, #tpu.memory_space<vmem>>) semaphore(%arg18 : memref<!tpu.dma_semaphore, #tpu.memory_space<semaphore_mem>>)
    %dma_start3A_74 = arith.constant 256 : i32
    %dma_start3A_75 = tpu.memref_slice %arg14[%dma_start3A_74] : memref<512xf32, #tpu.memory_space<vmem>> -> memref<128xf32, #tpu.memory_space<vmem>>
    %dma_start3A_76 = arith.constant 256 : i32
    %dma_start3A_77 = tpu.memref_slice %arg10[%dma_start3A_76] : memref<512xi32, #tpu.memory_space<vmem>> -> memref<128xi32, #tpu.memory_space<vmem>>
    %dma_start3A_78 = arith.constant 0 : i32
    %dma_start3A_79 = tpu.memref_slice %arg6[%dma_start3A_78] : memref<100000xf32, #tpu.memory_space<hbm>> -> memref<100000xf32, #tpu.memory_space<hbm>>
    tpu.enqueue_indirect_dma source(%dma_start3A_79 : memref<100000xf32, #tpu.memory_space<hbm>>) target(%dma_start3A_75 : memref<128xf32, #tpu.memory_space<vmem>>) offsets(%dma_start3A_77 : memref<128xi32, #tpu.memory_space<vmem>>) semaphore(%arg18 : memref<!tpu.dma_semaphore, #tpu.memory_space<semaphore_mem>>)
    %dma_start3A_80 = arith.constant 256 : i32
    %dma_start3A_81 = tpu.memref_slice %arg15[%dma_start3A_80] : memref<512xf32, #tpu.memory_space<vmem>> -> memref<128xf32, #tpu.memory_space<vmem>>
    %dma_start3A_82 = arith.constant 256 : i32
    %dma_start3A_83 = tpu.memref_slice %arg11[%dma_start3A_82] : memref<512xi32, #tpu.memory_space<vmem>> -> memref<128xi32, #tpu.memory_space<vmem>>
    %dma_start3A_84 = arith.constant 0 : i32
    %dma_start3A_85 = tpu.memref_slice %arg7[%dma_start3A_84] : memref<100000xf32, #tpu.memory_space<hbm>> -> memref<100000xf32, #tpu.memory_space<hbm>>
    tpu.enqueue_indirect_dma source(%dma_start3A_85 : memref<100000xf32, #tpu.memory_space<hbm>>) target(%dma_start3A_81 : memref<128xf32, #tpu.memory_space<vmem>>) offsets(%dma_start3A_83 : memref<128xi32, #tpu.memory_space<vmem>>) semaphore(%arg18 : memref<!tpu.dma_semaphore, #tpu.memory_space<semaphore_mem>>)
    %dma_start3A_86 = arith.constant 384 : i32
    %dma_start3A_87 = arith.constant 0 : i32
    %dma_start3A_88 = tpu.memref_slice %arg12[%dma_start3A_86, %dma_start3A_87] : memref<512x64xf32, #tpu.memory_space<vmem>> -> memref<128x64xf32, #tpu.memory_space<vmem>>
    %dma_start3A_89 = arith.constant 384 : i32
    %dma_start3A_90 = tpu.memref_slice %arg10[%dma_start3A_89] : memref<512xi32, #tpu.memory_space<vmem>> -> memref<128xi32, #tpu.memory_space<vmem>>
    %dma_start3A_91 = arith.constant 0 : i32
    %dma_start3A_92 = arith.constant 0 : i32
    %dma_start3A_93 = tpu.memref_slice %arg4[%dma_start3A_91, %dma_start3A_92] : memref<100000x64xf32, #tpu.memory_space<hbm>> -> memref<100000x64xf32, #tpu.memory_space<hbm>>
    tpu.enqueue_indirect_dma source(%dma_start3A_93 : memref<100000x64xf32, #tpu.memory_space<hbm>>) target(%dma_start3A_88 : memref<128x64xf32, #tpu.memory_space<vmem>>) offsets(%dma_start3A_90 : memref<128xi32, #tpu.memory_space<vmem>>) semaphore(%arg18 : memref<!tpu.dma_semaphore, #tpu.memory_space<semaphore_mem>>)
    %dma_start3A_94 = arith.constant 384 : i32
    %dma_start3A_95 = arith.constant 0 : i32
    %dma_start3A_96 = tpu.memref_slice %arg13[%dma_start3A_94, %dma_start3A_95] : memref<512x64xf32, #tpu.memory_space<vmem>> -> memref<128x64xf32, #tpu.memory_space<vmem>>
    %dma_start3A_97 = arith.constant 384 : i32
    %dma_start3A_98 = tpu.memref_slice %arg11[%dma_start3A_97] : memref<512xi32, #tpu.memory_space<vmem>> -> memref<128xi32, #tpu.memory_space<vmem>>
    %dma_start3A_99 = arith.constant 0 : i32
    %dma_start3A_100 = arith.constant 0 : i32
    %dma_start3A_101 = tpu.memref_slice %arg5[%dma_start3A_99, %dma_start3A_100] : memref<100000x64xf32, #tpu.memory_space<hbm>> -> memref<100000x64xf32, #tpu.memory_space<hbm>>
    tpu.enqueue_indirect_dma source(%dma_start3A_101 : memref<100000x64xf32, #tpu.memory_space<hbm>>) target(%dma_start3A_96 : memref<128x64xf32, #tpu.memory_space<vmem>>) offsets(%dma_start3A_98 : memref<128xi32, #tpu.memory_space<vmem>>) semaphore(%arg18 : memref<!tpu.dma_semaphore, #tpu.memory_space<semaphore_mem>>)
    %dma_start3A_102 = arith.constant 384 : i32
    %dma_start3A_103 = tpu.memref_slice %arg14[%dma_start3A_102] : memref<512xf32, #tpu.memory_space<vmem>> -> memref<128xf32, #tpu.memory_space<vmem>>
    %dma_start3A_104 = arith.constant 384 : i32
    %dma_start3A_105 = tpu.memref_slice %arg10[%dma_start3A_104] : memref<512xi32, #tpu.memory_space<vmem>> -> memref<128xi32, #tpu.memory_space<vmem>>
    %dma_start3A_106 = arith.constant 0 : i32
    %dma_start3A_107 = tpu.memref_slice %arg6[%dma_start3A_106] : memref<100000xf32, #tpu.memory_space<hbm>> -> memref<100000xf32, #tpu.memory_space<hbm>>
    tpu.enqueue_indirect_dma source(%dma_start3A_107 : memref<100000xf32, #tpu.memory_space<hbm>>) target(%dma_start3A_103 : memref<128xf32, #tpu.memory_space<vmem>>) offsets(%dma_start3A_105 : memref<128xi32, #tpu.memory_space<vmem>>) semaphore(%arg18 : memref<!tpu.dma_semaphore, #tpu.memory_space<semaphore_mem>>)
    %dma_start3A_108 = arith.constant 384 : i32
    %dma_start3A_109 = tpu.memref_slice %arg15[%dma_start3A_108] : memref<512xf32, #tpu.memory_space<vmem>> -> memref<128xf32, #tpu.memory_space<vmem>>
    %dma_start3A_110 = arith.constant 384 : i32
    %dma_start3A_111 = tpu.memref_slice %arg11[%dma_start3A_110] : memref<512xi32, #tpu.memory_space<vmem>> -> memref<128xi32, #tpu.memory_space<vmem>>
    %dma_start3A_112 = arith.constant 0 : i32
    %dma_start3A_113 = tpu.memref_slice %arg7[%dma_start3A_112] : memref<100000xf32, #tpu.memory_space<hbm>> -> memref<100000xf32, #tpu.memory_space<hbm>>
    tpu.enqueue_indirect_dma source(%dma_start3A_113 : memref<100000xf32, #tpu.memory_space<hbm>>) target(%dma_start3A_109 : memref<128xf32, #tpu.memory_space<vmem>>) offsets(%dma_start3A_111 : memref<128xi32, #tpu.memory_space<vmem>>) semaphore(%arg18 : memref<!tpu.dma_semaphore, #tpu.memory_space<semaphore_mem>>)
    %dma_wait3A = arith.constant 0 : i32
    %dma_wait3A_114 = arith.constant 0 : i32
    %dma_wait3A_115 = tpu.memref_slice %arg12[%dma_wait3A, %dma_wait3A_114] : memref<512x64xf32, #tpu.memory_space<vmem>> -> memref<128x64xf32, #tpu.memory_space<vmem>>
    %dma_wait3A_116 = arith.constant 0 : i32
    %dma_wait3A_117 = tpu.memref_slice %arg10[%dma_wait3A_116] : memref<512xi32, #tpu.memory_space<vmem>> -> memref<128xi32, #tpu.memory_space<vmem>>
    %dma_wait3A_118 = arith.constant 0 : i32
    %dma_wait3A_119 = arith.constant 0 : i32
    %dma_wait3A_120 = tpu.memref_slice %arg4[%dma_wait3A_118, %dma_wait3A_119] : memref<100000x64xf32, #tpu.memory_space<hbm>> -> memref<100000x64xf32, #tpu.memory_space<hbm>>
    tpu.wait_indirect_dma semaphore(%arg18 : memref<!tpu.dma_semaphore, #tpu.memory_space<semaphore_mem>>) src(%dma_wait3A_120 : memref<100000x64xf32, #tpu.memory_space<hbm>>) dst(%dma_wait3A_115 : memref<128x64xf32, #tpu.memory_space<vmem>>)
    %dma_wait3A_121 = arith.constant 0 : i32
    %dma_wait3A_122 = arith.constant 0 : i32
    %dma_wait3A_123 = tpu.memref_slice %arg13[%dma_wait3A_121, %dma_wait3A_122] : memref<512x64xf32, #tpu.memory_space<vmem>> -> memref<128x64xf32, #tpu.memory_space<vmem>>
    %dma_wait3A_124 = arith.constant 0 : i32
    %dma_wait3A_125 = tpu.memref_slice %arg11[%dma_wait3A_124] : memref<512xi32, #tpu.memory_space<vmem>> -> memref<128xi32, #tpu.memory_space<vmem>>
    %dma_wait3A_126 = arith.constant 0 : i32
    %dma_wait3A_127 = arith.constant 0 : i32
    %dma_wait3A_128 = tpu.memref_slice %arg5[%dma_wait3A_126, %dma_wait3A_127] : memref<100000x64xf32, #tpu.memory_space<hbm>> -> memref<100000x64xf32, #tpu.memory_space<hbm>>
    tpu.wait_indirect_dma semaphore(%arg18 : memref<!tpu.dma_semaphore, #tpu.memory_space<semaphore_mem>>) src(%dma_wait3A_128 : memref<100000x64xf32, #tpu.memory_space<hbm>>) dst(%dma_wait3A_123 : memref<128x64xf32, #tpu.memory_space<vmem>>)
    %dma_wait3A_129 = arith.constant 0 : i32
    %dma_wait3A_130 = tpu.memref_slice %arg14[%dma_wait3A_129] : memref<512xf32, #tpu.memory_space<vmem>> -> memref<128xf32, #tpu.memory_space<vmem>>
    %dma_wait3A_131 = arith.constant 0 : i32
    %dma_wait3A_132 = tpu.memref_slice %arg10[%dma_wait3A_131] : memref<512xi32, #tpu.memory_space<vmem>> -> memref<128xi32, #tpu.memory_space<vmem>>
    %dma_wait3A_133 = arith.constant 0 : i32
    %dma_wait3A_134 = tpu.memref_slice %arg6[%dma_wait3A_133] : memref<100000xf32, #tpu.memory_space<hbm>> -> memref<100000xf32, #tpu.memory_space<hbm>>
    tpu.wait_indirect_dma semaphore(%arg18 : memref<!tpu.dma_semaphore, #tpu.memory_space<semaphore_mem>>) src(%dma_wait3A_134 : memref<100000xf32, #tpu.memory_space<hbm>>) dst(%dma_wait3A_130 : memref<128xf32, #tpu.memory_space<vmem>>)
    %dma_wait3A_135 = arith.constant 0 : i32
    %dma_wait3A_136 = tpu.memref_slice %arg15[%dma_wait3A_135] : memref<512xf32, #tpu.memory_space<vmem>> -> memref<128xf32, #tpu.memory_space<vmem>>
    %dma_wait3A_137 = arith.constant 0 : i32
    %dma_wait3A_138 = tpu.memref_slice %arg11[%dma_wait3A_137] : memref<512xi32, #tpu.memory_space<vmem>> -> memref<128xi32, #tpu.memory_space<vmem>>
    %dma_wait3A_139 = arith.constant 0 : i32
    %dma_wait3A_140 = tpu.memref_slice %arg7[%dma_wait3A_139] : memref<100000xf32, #tpu.memory_space<hbm>> -> memref<100000xf32, #tpu.memory_space<hbm>>
    tpu.wait_indirect_dma semaphore(%arg18 : memref<!tpu.dma_semaphore, #tpu.memory_space<semaphore_mem>>) src(%dma_wait3A_140 : memref<100000xf32, #tpu.memory_space<hbm>>) dst(%dma_wait3A_136 : memref<128xf32, #tpu.memory_space<vmem>>)
    %dma_wait3A_141 = arith.constant 128 : i32
    %dma_wait3A_142 = arith.constant 0 : i32
    %dma_wait3A_143 = tpu.memref_slice %arg12[%dma_wait3A_141, %dma_wait3A_142] : memref<512x64xf32, #tpu.memory_space<vmem>> -> memref<128x64xf32, #tpu.memory_space<vmem>>
    %dma_wait3A_144 = arith.constant 128 : i32
    %dma_wait3A_145 = tpu.memref_slice %arg10[%dma_wait3A_144] : memref<512xi32, #tpu.memory_space<vmem>> -> memref<128xi32, #tpu.memory_space<vmem>>
    %dma_wait3A_146 = arith.constant 0 : i32
    %dma_wait3A_147 = arith.constant 0 : i32
    %dma_wait3A_148 = tpu.memref_slice %arg4[%dma_wait3A_146, %dma_wait3A_147] : memref<100000x64xf32, #tpu.memory_space<hbm>> -> memref<100000x64xf32, #tpu.memory_space<hbm>>
    tpu.wait_indirect_dma semaphore(%arg18 : memref<!tpu.dma_semaphore, #tpu.memory_space<semaphore_mem>>) src(%dma_wait3A_148 : memref<100000x64xf32, #tpu.memory_space<hbm>>) dst(%dma_wait3A_143 : memref<128x64xf32, #tpu.memory_space<vmem>>)
    %dma_wait3A_149 = arith.constant 128 : i32
    %dma_wait3A_150 = arith.constant 0 : i32
    %dma_wait3A_151 = tpu.memref_slice %arg13[%dma_wait3A_149, %dma_wait3A_150] : memref<512x64xf32, #tpu.memory_space<vmem>> -> memref<128x64xf32, #tpu.memory_space<vmem>>
    %dma_wait3A_152 = arith.constant 128 : i32
    %dma_wait3A_153 = tpu.memref_slice %arg11[%dma_wait3A_152] : memref<512xi32, #tpu.memory_space<vmem>> -> memref<128xi32, #tpu.memory_space<vmem>>
    %dma_wait3A_154 = arith.constant 0 : i32
    %dma_wait3A_155 = arith.constant 0 : i32
    %dma_wait3A_156 = tpu.memref_slice %arg5[%dma_wait3A_154, %dma_wait3A_155] : memref<100000x64xf32, #tpu.memory_space<hbm>> -> memref<100000x64xf32, #tpu.memory_space<hbm>>
    tpu.wait_indirect_dma semaphore(%arg18 : memref<!tpu.dma_semaphore, #tpu.memory_space<semaphore_mem>>) src(%dma_wait3A_156 : memref<100000x64xf32, #tpu.memory_space<hbm>>) dst(%dma_wait3A_151 : memref<128x64xf32, #tpu.memory_space<vmem>>)
    %dma_wait3A_157 = arith.constant 128 : i32
    %dma_wait3A_158 = tpu.memref_slice %arg14[%dma_wait3A_157] : memref<512xf32, #tpu.memory_space<vmem>> -> memref<128xf32, #tpu.memory_space<vmem>>
    %dma_wait3A_159 = arith.constant 128 : i32
    %dma_wait3A_160 = tpu.memref_slice %arg10[%dma_wait3A_159] : memref<512xi32, #tpu.memory_space<vmem>> -> memref<128xi32, #tpu.memory_space<vmem>>
    %dma_wait3A_161 = arith.constant 0 : i32
    %dma_wait3A_162 = tpu.memref_slice %arg6[%dma_wait3A_161] : memref<100000xf32, #tpu.memory_space<hbm>> -> memref<100000xf32, #tpu.memory_space<hbm>>
    tpu.wait_indirect_dma semaphore(%arg18 : memref<!tpu.dma_semaphore, #tpu.memory_space<semaphore_mem>>) src(%dma_wait3A_162 : memref<100000xf32, #tpu.memory_space<hbm>>) dst(%dma_wait3A_158 : memref<128xf32, #tpu.memory_space<vmem>>)
    %dma_wait3A_163 = arith.constant 128 : i32
    %dma_wait3A_164 = tpu.memref_slice %arg15[%dma_wait3A_163] : memref<512xf32, #tpu.memory_space<vmem>> -> memref<128xf32, #tpu.memory_space<vmem>>
    %dma_wait3A_165 = arith.constant 128 : i32
    %dma_wait3A_166 = tpu.memref_slice %arg11[%dma_wait3A_165] : memref<512xi32, #tpu.memory_space<vmem>> -> memref<128xi32, #tpu.memory_space<vmem>>
    %dma_wait3A_167 = arith.constant 0 : i32
    %dma_wait3A_168 = tpu.memref_slice %arg7[%dma_wait3A_167] : memref<100000xf32, #tpu.memory_space<hbm>> -> memref<100000xf32, #tpu.memory_space<hbm>>
    tpu.wait_indirect_dma semaphore(%arg18 : memref<!tpu.dma_semaphore, #tpu.memory_space<semaphore_mem>>) src(%dma_wait3A_168 : memref<100000xf32, #tpu.memory_space<hbm>>) dst(%dma_wait3A_164 : memref<128xf32, #tpu.memory_space<vmem>>)
    %dma_wait3A_169 = arith.constant 256 : i32
    %dma_wait3A_170 = arith.constant 0 : i32
    %dma_wait3A_171 = tpu.memref_slice %arg12[%dma_wait3A_169, %dma_wait3A_170] : memref<512x64xf32, #tpu.memory_space<vmem>> -> memref<128x64xf32, #tpu.memory_space<vmem>>
    %dma_wait3A_172 = arith.constant 256 : i32
    %dma_wait3A_173 = tpu.memref_slice %arg10[%dma_wait3A_172] : memref<512xi32, #tpu.memory_space<vmem>> -> memref<128xi32, #tpu.memory_space<vmem>>
    %dma_wait3A_174 = arith.constant 0 : i32
    %dma_wait3A_175 = arith.constant 0 : i32
    %dma_wait3A_176 = tpu.memref_slice %arg4[%dma_wait3A_174, %dma_wait3A_175] : memref<100000x64xf32, #tpu.memory_space<hbm>> -> memref<100000x64xf32, #tpu.memory_space<hbm>>
    tpu.wait_indirect_dma semaphore(%arg18 : memref<!tpu.dma_semaphore, #tpu.memory_space<semaphore_mem>>) src(%dma_wait3A_176 : memref<100000x64xf32, #tpu.memory_space<hbm>>) dst(%dma_wait3A_171 : memref<128x64xf32, #tpu.memory_space<vmem>>)
    %dma_wait3A_177 = arith.constant 256 : i32
    %dma_wait3A_178 = arith.constant 0 : i32
    %dma_wait3A_179 = tpu.memref_slice %arg13[%dma_wait3A_177, %dma_wait3A_178] : memref<512x64xf32, #tpu.memory_space<vmem>> -> memref<128x64xf32, #tpu.memory_space<vmem>>
    %dma_wait3A_180 = arith.constant 256 : i32
    %dma_wait3A_181 = tpu.memref_slice %arg11[%dma_wait3A_180] : memref<512xi32, #tpu.memory_space<vmem>> -> memref<128xi32, #tpu.memory_space<vmem>>
    %dma_wait3A_182 = arith.constant 0 : i32
    %dma_wait3A_183 = arith.constant 0 : i32
    %dma_wait3A_184 = tpu.memref_slice %arg5[%dma_wait3A_182, %dma_wait3A_183] : memref<100000x64xf32, #tpu.memory_space<hbm>> -> memref<100000x64xf32, #tpu.memory_space<hbm>>
    tpu.wait_indirect_dma semaphore(%arg18 : memref<!tpu.dma_semaphore, #tpu.memory_space<semaphore_mem>>) src(%dma_wait3A_184 : memref<100000x64xf32, #tpu.memory_space<hbm>>) dst(%dma_wait3A_179 : memref<128x64xf32, #tpu.memory_space<vmem>>)
    %dma_wait3A_185 = arith.constant 256 : i32
    %dma_wait3A_186 = tpu.memref_slice %arg14[%dma_wait3A_185] : memref<512xf32, #tpu.memory_space<vmem>> -> memref<128xf32, #tpu.memory_space<vmem>>
    %dma_wait3A_187 = arith.constant 256 : i32
    %dma_wait3A_188 = tpu.memref_slice %arg10[%dma_wait3A_187] : memref<512xi32, #tpu.memory_space<vmem>> -> memref<128xi32, #tpu.memory_space<vmem>>
    %dma_wait3A_189 = arith.constant 0 : i32
    %dma_wait3A_190 = tpu.memref_slice %arg6[%dma_wait3A_189] : memref<100000xf32, #tpu.memory_space<hbm>> -> memref<100000xf32, #tpu.memory_space<hbm>>
    tpu.wait_indirect_dma semaphore(%arg18 : memref<!tpu.dma_semaphore, #tpu.memory_space<semaphore_mem>>) src(%dma_wait3A_190 : memref<100000xf32, #tpu.memory_space<hbm>>) dst(%dma_wait3A_186 : memref<128xf32, #tpu.memory_space<vmem>>)
    %dma_wait3A_191 = arith.constant 256 : i32
    %dma_wait3A_192 = tpu.memref_slice %arg15[%dma_wait3A_191] : memref<512xf32, #tpu.memory_space<vmem>> -> memref<128xf32, #tpu.memory_space<vmem>>
    %dma_wait3A_193 = arith.constant 256 : i32
    %dma_wait3A_194 = tpu.memref_slice %arg11[%dma_wait3A_193] : memref<512xi32, #tpu.memory_space<vmem>> -> memref<128xi32, #tpu.memory_space<vmem>>
    %dma_wait3A_195 = arith.constant 0 : i32
    %dma_wait3A_196 = tpu.memref_slice %arg7[%dma_wait3A_195] : memref<100000xf32, #tpu.memory_space<hbm>> -> memref<100000xf32, #tpu.memory_space<hbm>>
    tpu.wait_indirect_dma semaphore(%arg18 : memref<!tpu.dma_semaphore, #tpu.memory_space<semaphore_mem>>) src(%dma_wait3A_196 : memref<100000xf32, #tpu.memory_space<hbm>>) dst(%dma_wait3A_192 : memref<128xf32, #tpu.memory_space<vmem>>)
    %dma_wait3A_197 = arith.constant 384 : i32
    %dma_wait3A_198 = arith.constant 0 : i32
    %dma_wait3A_199 = tpu.memref_slice %arg12[%dma_wait3A_197, %dma_wait3A_198] : memref<512x64xf32, #tpu.memory_space<vmem>> -> memref<128x64xf32, #tpu.memory_space<vmem>>
    %dma_wait3A_200 = arith.constant 384 : i32
    %dma_wait3A_201 = tpu.memref_slice %arg10[%dma_wait3A_200] : memref<512xi32, #tpu.memory_space<vmem>> -> memref<128xi32, #tpu.memory_space<vmem>>
    %dma_wait3A_202 = arith.constant 0 : i32
    %dma_wait3A_203 = arith.constant 0 : i32
    %dma_wait3A_204 = tpu.memref_slice %arg4[%dma_wait3A_202, %dma_wait3A_203] : memref<100000x64xf32, #tpu.memory_space<hbm>> -> memref<100000x64xf32, #tpu.memory_space<hbm>>
    tpu.wait_indirect_dma semaphore(%arg18 : memref<!tpu.dma_semaphore, #tpu.memory_space<semaphore_mem>>) src(%dma_wait3A_204 : memref<100000x64xf32, #tpu.memory_space<hbm>>) dst(%dma_wait3A_199 : memref<128x64xf32, #tpu.memory_space<vmem>>)
    %dma_wait3A_205 = arith.constant 384 : i32
    %dma_wait3A_206 = arith.constant 0 : i32
    %dma_wait3A_207 = tpu.memref_slice %arg13[%dma_wait3A_205, %dma_wait3A_206] : memref<512x64xf32, #tpu.memory_space<vmem>> -> memref<128x64xf32, #tpu.memory_space<vmem>>
    %dma_wait3A_208 = arith.constant 384 : i32
    %dma_wait3A_209 = tpu.memref_slice %arg11[%dma_wait3A_208] : memref<512xi32, #tpu.memory_space<vmem>> -> memref<128xi32, #tpu.memory_space<vmem>>
    %dma_wait3A_210 = arith.constant 0 : i32
    %dma_wait3A_211 = arith.constant 0 : i32
    %dma_wait3A_212 = tpu.memref_slice %arg5[%dma_wait3A_210, %dma_wait3A_211] : memref<100000x64xf32, #tpu.memory_space<hbm>> -> memref<100000x64xf32, #tpu.memory_space<hbm>>
    tpu.wait_indirect_dma semaphore(%arg18 : memref<!tpu.dma_semaphore, #tpu.memory_space<semaphore_mem>>) src(%dma_wait3A_212 : memref<100000x64xf32, #tpu.memory_space<hbm>>) dst(%dma_wait3A_207 : memref<128x64xf32, #tpu.memory_space<vmem>>)
    %dma_wait3A_213 = arith.constant 384 : i32
    %dma_wait3A_214 = tpu.memref_slice %arg14[%dma_wait3A_213] : memref<512xf32, #tpu.memory_space<vmem>> -> memref<128xf32, #tpu.memory_space<vmem>>
    %dma_wait3A_215 = arith.constant 384 : i32
    %dma_wait3A_216 = tpu.memref_slice %arg10[%dma_wait3A_215] : memref<512xi32, #tpu.memory_space<vmem>> -> memref<128xi32, #tpu.memory_space<vmem>>
    %dma_wait3A_217 = arith.constant 0 : i32
    %dma_wait3A_218 = tpu.memref_slice %arg6[%dma_wait3A_217] : memref<100000xf32, #tpu.memory_space<hbm>> -> memref<100000xf32, #tpu.memory_space<hbm>>
    tpu.wait_indirect_dma semaphore(%arg18 : memref<!tpu.dma_semaphore, #tpu.memory_space<semaphore_mem>>) src(%dma_wait3A_218 : memref<100000xf32, #tpu.memory_space<hbm>>) dst(%dma_wait3A_214 : memref<128xf32, #tpu.memory_space<vmem>>)
    %dma_wait3A_219 = arith.constant 384 : i32
    %dma_wait3A_220 = tpu.memref_slice %arg15[%dma_wait3A_219] : memref<512xf32, #tpu.memory_space<vmem>> -> memref<128xf32, #tpu.memory_space<vmem>>
    %dma_wait3A_221 = arith.constant 384 : i32
    %dma_wait3A_222 = tpu.memref_slice %arg11[%dma_wait3A_221] : memref<512xi32, #tpu.memory_space<vmem>> -> memref<128xi32, #tpu.memory_space<vmem>>
    %dma_wait3A_223 = arith.constant 0 : i32
    %dma_wait3A_224 = tpu.memref_slice %arg7[%dma_wait3A_223] : memref<100000xf32, #tpu.memory_space<hbm>> -> memref<100000xf32, #tpu.memory_space<hbm>>
    tpu.wait_indirect_dma semaphore(%arg18 : memref<!tpu.dma_semaphore, #tpu.memory_space<semaphore_mem>>) src(%dma_wait3A_224 : memref<100000xf32, #tpu.memory_space<hbm>>) dst(%dma_wait3A_220 : memref<128xf32, #tpu.memory_space<vmem>>)
    %get3A = arith.constant 0 : index
    %get3A_225 = tpu.vector_load %arg17[%get3A] {strides = array<i32>} : memref<16xf32, #tpu.memory_space<vmem>>, vector<16xf32>,
    %iota3A = tpu.iota {dimensions = array<i32: 0>} : vector<16xi32>
    %scan3A = arith.constant 0 : i32
    %scan3A_226 = arith.constant 0 : i32
    %scan3A_227 = arith.constant 32 : i32
    %scan3A_228 = arith.addi %scan3A_226, %scan3A_227 : i32
    %scan3A_229 = arith.constant 1 : i32
    scf.for %scan3A_231 = %scan3A_226 to %scan3A_228 step %scan3A_229  : i32 {
      %mul3A_232 = arith.constant 16 : i32
      %mul3A_233 = arith.muli %scan3A_231, %mul3A_232 : i32
      %get3A_234 = arith.index_cast %mul3A_233 : i32 to index
      %get3A_235 = tpu.vector_load %arg14[%get3A_234] {strides = array<i32>} : memref<512xf32, #tpu.memory_space<vmem>>, vector<16xf32>,
      %get3A_236 = arith.index_cast %mul3A_233 : i32 to index
      %get3A_237 = tpu.vector_load %arg15[%get3A_236] {strides = array<i32>} : memref<512xf32, #tpu.memory_space<vmem>>, vector<16xf32>,
      %add3A_238 = arith.addf %get3A_235, %get3A_237 : vector<16xf32>
      %add3A_239 = arith.addf %add3A_238, %get3A_225 : vector<16xf32>
      %add3A_240 = arith.constant 0 : i32
      %add3A_241 = arith.addi %mul3A_233, %add3A_240 : i32
      %get3A_242 = arith.index_cast %add3A_241 : i32 to index
      %get3A_243 = arith.constant 0 : index
      %get3A_244 = tpu.vector_load %arg12[%get3A_242, %get3A_243] {strides = array<i32>} : memref<512x64xf32, #tpu.memory_space<vmem>>, vector<16xf32>,
      %get3A_245 = arith.index_cast %add3A_241 : i32 to index
      %get3A_246 = arith.constant 0 : index
      %get3A_247 = tpu.vector_load %arg13[%get3A_245, %get3A_246] {strides = array<i32>} : memref<512x64xf32, #tpu.memory_space<vmem>>, vector<16xf32>,
      %mul3A_248 = arith.mulf %get3A_244, %get3A_247 : vector<16xf32>
      %get3A_249 = arith.index_cast %add3A_241 : i32 to index
      %get3A_250 = arith.constant 16 : index
      %get3A_251 = tpu.vector_load %arg12[%get3A_249, %get3A_250] {strides = array<i32>} : memref<512x64xf32, #tpu.memory_space<vmem>>, vector<16xf32>,
      %get3A_252 = arith.index_cast %add3A_241 : i32 to index
      %get3A_253 = arith.constant 16 : index
      %get3A_254 = tpu.vector_load %arg13[%get3A_252, %get3A_253] {strides = array<i32>} : memref<512x64xf32, #tpu.memory_space<vmem>>, vector<16xf32>,
      %mul3A_255 = arith.mulf %get3A_251, %get3A_254 : vector<16xf32>
      %add3A_256 = arith.addf %mul3A_248, %mul3A_255 : vector<16xf32>
      %get3A_257 = arith.index_cast %add3A_241 : i32 to index
      %get3A_258 = arith.constant 32 : index
      %get3A_259 = tpu.vector_load %arg12[%get3A_257, %get3A_258] {strides = array<i32>} : memref<512x64xf32, #tpu.memory_space<vmem>>, vector<16xf32>,
      %get3A_260 = arith.index_cast %add3A_241 : i32 to index
      %get3A_261 = arith.constant 32 : index
      %get3A_262 = tpu.vector_load %arg13[%get3A_260, %get3A_261] {strides = array<i32>} : memref<512x64xf32, #tpu.memory_space<vmem>>, vector<16xf32>,
      %mul3A_263 = arith.mulf %get3A_259, %get3A_262 : vector<16xf32>
      %add3A_264 = arith.addf %add3A_256, %mul3A_263 : vector<16xf32>
      %get3A_265 = arith.index_cast %add3A_241 : i32 to index
      %get3A_266 = arith.constant 48 : index
      %get3A_267 = tpu.vector_load %arg12[%get3A_265, %get3A_266] {strides = array<i32>} : memref<512x64xf32, #tpu.memory_space<vmem>>, vector<16xf32>,
      %get3A_268 = arith.index_cast %add3A_241 : i32 to index
      %get3A_269 = arith.constant 48 : index
      %get3A_270 = tpu.vector_load %arg13[%get3A_268, %get3A_269] {strides = array<i32>} : memref<512x64xf32, #tpu.memory_space<vmem>>, vector<16xf32>,
      %mul3A_271 = arith.mulf %get3A_267, %get3A_270 : vector<16xf32>
      %add3A_272 = arith.addf %add3A_264, %mul3A_271 : vector<16xf32>
      %eq3A = arith.constant 0 : i32
      %eq3A_273 = vector.broadcast %eq3A : i32 to vector<16xi32>
      %eq3A_274 = arith.cmpi eq, %iota3A, %eq3A_273 : vector<16xi32>
      %reduce_sum3A = arith.constant true
      %reduce_sum3A_275 = vector.broadcast %reduce_sum3A : i1 to vector<16xi1>
      %reduce_sum3A_276 = tpu.scan <sum>, %add3A_272 masked %reduce_sum3A_275 : vector<16xf32>, vector<16xi1> -> vector<16xf32>
      %reduce_sum3A_277 = vector.extract %reduce_sum3A_276[15] : f32 from vector<16xf32>
      %jit3A = arith.constant 0.000000e+00 : f32
      %broadcast_in_dim3A = vector.broadcast %reduce_sum3A_277 : f32 to vector<16xf32>
      %broadcast_in_dim3A_278 = vector.broadcast %jit3A : f32 to vector<16xf32>
      %select_n3A = arith.select %eq3A_274, %broadcast_in_dim3A, %broadcast_in_dim3A_278 : vector<16xi1>, vector<16xf32>
      %add3A_279 = arith.addf %add3A_239, %select_n3A : vector<16xf32>
      %add3A_280 = arith.constant 1 : i32
      %add3A_281 = arith.addi %mul3A_233, %add3A_280 : i32
      %get3A_282 = arith.index_cast %add3A_281 : i32 to index
      %get3A_283 = arith.constant 0 : index
      %get3A_284 = tpu.vector_load %arg12[%get3A_282, %get3A_283] {strides = array<i32>} : memref<512x64xf32, #tpu.memory_space<vmem>>, vector<16xf32>,
      %get3A_285 = arith.index_cast %add3A_281 : i32 to index
      %get3A_286 = arith.constant 0 : index
      %get3A_287 = tpu.vector_load %arg13[%get3A_285, %get3A_286] {strides = array<i32>} : memref<512x64xf32, #tpu.memory_space<vmem>>, vector<16xf32>,
      %mul3A_288 = arith.mulf %get3A_284, %get3A_287 : vector<16xf32>
      %get3A_289 = arith.index_cast %add3A_281 : i32 to index
      %get3A_290 = arith.constant 16 : index
      %get3A_291 = tpu.vector_load %arg12[%get3A_289, %get3A_290] {strides = array<i32>} : memref<512x64xf32, #tpu.memory_space<vmem>>, vector<16xf32>,
      %get3A_292 = arith.index_cast %add3A_281 : i32 to index
      %get3A_293 = arith.constant 16 : index
      %get3A_294 = tpu.vector_load %arg13[%get3A_292, %get3A_293] {strides = array<i32>} : memref<512x64xf32, #tpu.memory_space<vmem>>, vector<16xf32>,
      %mul3A_295 = arith.mulf %get3A_291, %get3A_294 : vector<16xf32>
      %add3A_296 = arith.addf %mul3A_288, %mul3A_295 : vector<16xf32>
      %get3A_297 = arith.index_cast %add3A_281 : i32 to index
      %get3A_298 = arith.constant 32 : index
      %get3A_299 = tpu.vector_load %arg12[%get3A_297, %get3A_298] {strides = array<i32>} : memref<512x64xf32, #tpu.memory_space<vmem>>, vector<16xf32>,
      %get3A_300 = arith.index_cast %add3A_281 : i32 to index
      %get3A_301 = arith.constant 32 : index
      %get3A_302 = tpu.vector_load %arg13[%get3A_300, %get3A_301] {strides = array<i32>} : memref<512x64xf32, #tpu.memory_space<vmem>>, vector<16xf32>,
      %mul3A_303 = arith.mulf %get3A_299, %get3A_302 : vector<16xf32>
      %add3A_304 = arith.addf %add3A_296, %mul3A_303 : vector<16xf32>
      %get3A_305 = arith.index_cast %add3A_281 : i32 to index
      %get3A_306 = arith.constant 48 : index
      %get3A_307 = tpu.vector_load %arg12[%get3A_305, %get3A_306] {strides = array<i32>} : memref<512x64xf32, #tpu.memory_space<vmem>>, vector<16xf32>,
      %get3A_308 = arith.index_cast %add3A_281 : i32 to index
      %get3A_309 = arith.constant 48 : index
      %get3A_310 = tpu.vector_load %arg13[%get3A_308, %get3A_309] {strides = array<i32>} : memref<512x64xf32, #tpu.memory_space<vmem>>, vector<16xf32>,
      %mul3A_311 = arith.mulf %get3A_307, %get3A_310 : vector<16xf32>
      %add3A_312 = arith.addf %add3A_304, %mul3A_311 : vector<16xf32>
      %eq3A_313 = arith.constant 1 : i32
      %eq3A_314 = vector.broadcast %eq3A_313 : i32 to vector<16xi32>
      %eq3A_315 = arith.cmpi eq, %iota3A, %eq3A_314 : vector<16xi32>
      %reduce_sum3A_316 = arith.constant true
      %reduce_sum3A_317 = vector.broadcast %reduce_sum3A_316 : i1 to vector<16xi1>
      %reduce_sum3A_318 = tpu.scan <sum>, %add3A_312 masked %reduce_sum3A_317 : vector<16xf32>, vector<16xi1> -> vector<16xf32>
      %reduce_sum3A_319 = vector.extract %reduce_sum3A_318[15] : f32 from vector<16xf32>
      %jit3A_320 = arith.constant 0.000000e+00 : f32
      %broadcast_in_dim3A_321 = vector.broadcast %reduce_sum3A_319 : f32 to vector<16xf32>
      %broadcast_in_dim3A_322 = vector.broadcast %jit3A_320 : f32 to vector<16xf32>
      %select_n3A_323 = arith.select %eq3A_315, %broadcast_in_dim3A_321, %broadcast_in_dim3A_322 : vector<16xi1>, vector<16xf32>
      %add3A_324 = arith.addf %add3A_279, %select_n3A_323 : vector<16xf32>
      %add3A_325 = arith.constant 2 : i32
      %add3A_326 = arith.addi %mul3A_233, %add3A_325 : i32
      %get3A_327 = arith.index_cast %add3A_326 : i32 to index
      %get3A_328 = arith.constant 0 : index
      %get3A_329 = tpu.vector_load %arg12[%get3A_327, %get3A_328] {strides = array<i32>} : memref<512x64xf32, #tpu.memory_space<vmem>>, vector<16xf32>,
      %get3A_330 = arith.index_cast %add3A_326 : i32 to index
      %get3A_331 = arith.constant 0 : index
      %get3A_332 = tpu.vector_load %arg13[%get3A_330, %get3A_331] {strides = array<i32>} : memref<512x64xf32, #tpu.memory_space<vmem>>, vector<16xf32>,
      %mul3A_333 = arith.mulf %get3A_329, %get3A_332 : vector<16xf32>
      %get3A_334 = arith.index_cast %add3A_326 : i32 to index
      %get3A_335 = arith.constant 16 : index
      %get3A_336 = tpu.vector_load %arg12[%get3A_334, %get3A_335] {strides = array<i32>} : memref<512x64xf32, #tpu.memory_space<vmem>>, vector<16xf32>,
      %get3A_337 = arith.index_cast %add3A_326 : i32 to index
      %get3A_338 = arith.constant 16 : index
      %get3A_339 = tpu.vector_load %arg13[%get3A_337, %get3A_338] {strides = array<i32>} : memref<512x64xf32, #tpu.memory_space<vmem>>, vector<16xf32>,
      %mul3A_340 = arith.mulf %get3A_336, %get3A_339 : vector<16xf32>
      %add3A_341 = arith.addf %mul3A_333, %mul3A_340 : vector<16xf32>
      %get3A_342 = arith.index_cast %add3A_326 : i32 to index
      %get3A_343 = arith.constant 32 : index
      %get3A_344 = tpu.vector_load %arg12[%get3A_342, %get3A_343] {strides = array<i32>} : memref<512x64xf32, #tpu.memory_space<vmem>>, vector<16xf32>,
      %get3A_345 = arith.index_cast %add3A_326 : i32 to index
      %get3A_346 = arith.constant 32 : index
      %get3A_347 = tpu.vector_load %arg13[%get3A_345, %get3A_346] {strides = array<i32>} : memref<512x64xf32, #tpu.memory_space<vmem>>, vector<16xf32>,
      %mul3A_348 = arith.mulf %get3A_344, %get3A_347 : vector<16xf32>
      %add3A_349 = arith.addf %add3A_341, %mul3A_348 : vector<16xf32>
      %get3A_350 = arith.index_cast %add3A_326 : i32 to index
      %get3A_351 = arith.constant 48 : index
      %get3A_352 = tpu.vector_load %arg12[%get3A_350, %get3A_351] {strides = array<i32>} : memref<512x64xf32, #tpu.memory_space<vmem>>, vector<16xf32>,
      %get3A_353 = arith.index_cast %add3A_326 : i32 to index
      %get3A_354 = arith.constant 48 : index
      %get3A_355 = tpu.vector_load %arg13[%get3A_353, %get3A_354] {strides = array<i32>} : memref<512x64xf32, #tpu.memory_space<vmem>>, vector<16xf32>,
      %mul3A_356 = arith.mulf %get3A_352, %get3A_355 : vector<16xf32>
      %add3A_357 = arith.addf %add3A_349, %mul3A_356 : vector<16xf32>
      %eq3A_358 = arith.constant 2 : i32
      %eq3A_359 = vector.broadcast %eq3A_358 : i32 to vector<16xi32>
      %eq3A_360 = arith.cmpi eq, %iota3A, %eq3A_359 : vector<16xi32>
      %reduce_sum3A_361 = arith.constant true
      %reduce_sum3A_362 = vector.broadcast %reduce_sum3A_361 : i1 to vector<16xi1>
      %reduce_sum3A_363 = tpu.scan <sum>, %add3A_357 masked %reduce_sum3A_362 : vector<16xf32>, vector<16xi1> -> vector<16xf32>
      %reduce_sum3A_364 = vector.extract %reduce_sum3A_363[15] : f32 from vector<16xf32>
      %jit3A_365 = arith.constant 0.000000e+00 : f32
      %broadcast_in_dim3A_366 = vector.broadcast %reduce_sum3A_364 : f32 to vector<16xf32>
      %broadcast_in_dim3A_367 = vector.broadcast %jit3A_365 : f32 to vector<16xf32>
      %select_n3A_368 = arith.select %eq3A_360, %broadcast_in_dim3A_366, %broadcast_in_dim3A_367 : vector<16xi1>, vector<16xf32>
      %add3A_369 = arith.addf %add3A_324, %select_n3A_368 : vector<16xf32>
      %add3A_370 = arith.constant 3 : i32
      %add3A_371 = arith.addi %mul3A_233, %add3A_370 : i32
      %get3A_372 = arith.index_cast %add3A_371 : i32 to index
      %get3A_373 = arith.constant 0 : index
      %get3A_374 = tpu.vector_load %arg12[%get3A_372, %get3A_373] {strides = array<i32>} : memref<512x64xf32, #tpu.memory_space<vmem>>, vector<16xf32>,
      %get3A_375 = arith.index_cast %add3A_371 : i32 to index
      %get3A_376 = arith.constant 0 : index
      %get3A_377 = tpu.vector_load %arg13[%get3A_375, %get3A_376] {strides = array<i32>} : memref<512x64xf32, #tpu.memory_space<vmem>>, vector<16xf32>,
      %mul3A_378 = arith.mulf %get3A_374, %get3A_377 : vector<16xf32>
      %get3A_379 = arith.index_cast %add3A_371 : i32 to index
      %get3A_380 = arith.constant 16 : index
      %get3A_381 = tpu.vector_load %arg12[%get3A_379, %get3A_380] {strides = array<i32>} : memref<512x64xf32, #tpu.memory_space<vmem>>, vector<16xf32>,
      %get3A_382 = arith.index_cast %add3A_371 : i32 to index
      %get3A_383 = arith.constant 16 : index
      %get3A_384 = tpu.vector_load %arg13[%get3A_382, %get3A_383] {strides = array<i32>} : memref<512x64xf32, #tpu.memory_space<vmem>>, vector<16xf32>,
      %mul3A_385 = arith.mulf %get3A_381, %get3A_384 : vector<16xf32>
      %add3A_386 = arith.addf %mul3A_378, %mul3A_385 : vector<16xf32>
      %get3A_387 = arith.index_cast %add3A_371 : i32 to index
      %get3A_388 = arith.constant 32 : index
      %get3A_389 = tpu.vector_load %arg12[%get3A_387, %get3A_388] {strides = array<i32>} : memref<512x64xf32, #tpu.memory_space<vmem>>, vector<16xf32>,
      %get3A_390 = arith.index_cast %add3A_371 : i32 to index
      %get3A_391 = arith.constant 32 : index
      %get3A_392 = tpu.vector_load %arg13[%get3A_390, %get3A_391] {strides = array<i32>} : memref<512x64xf32, #tpu.memory_space<vmem>>, vector<16xf32>,
      %mul3A_393 = arith.mulf %get3A_389, %get3A_392 : vector<16xf32>
      %add3A_394 = arith.addf %add3A_386, %mul3A_393 : vector<16xf32>
      %get3A_395 = arith.index_cast %add3A_371 : i32 to index
      %get3A_396 = arith.constant 48 : index
      %get3A_397 = tpu.vector_load %arg12[%get3A_395, %get3A_396] {strides = array<i32>} : memref<512x64xf32, #tpu.memory_space<vmem>>, vector<16xf32>,
      %get3A_398 = arith.index_cast %add3A_371 : i32 to index
      %get3A_399 = arith.constant 48 : index
      %get3A_400 = tpu.vector_load %arg13[%get3A_398, %get3A_399] {strides = array<i32>} : memref<512x64xf32, #tpu.memory_space<vmem>>, vector<16xf32>,
      %mul3A_401 = arith.mulf %get3A_397, %get3A_400 : vector<16xf32>
      %add3A_402 = arith.addf %add3A_394, %mul3A_401 : vector<16xf32>
      %eq3A_403 = arith.constant 3 : i32
      %eq3A_404 = vector.broadcast %eq3A_403 : i32 to vector<16xi32>
      %eq3A_405 = arith.cmpi eq, %iota3A, %eq3A_404 : vector<16xi32>
      %reduce_sum3A_406 = arith.constant true
      %reduce_sum3A_407 = vector.broadcast %reduce_sum3A_406 : i1 to vector<16xi1>
      %reduce_sum3A_408 = tpu.scan <sum>, %add3A_402 masked %reduce_sum3A_407 : vector<16xf32>, vector<16xi1> -> vector<16xf32>
      %reduce_sum3A_409 = vector.extract %reduce_sum3A_408[15] : f32 from vector<16xf32>
      %jit3A_410 = arith.constant 0.000000e+00 : f32
      %broadcast_in_dim3A_411 = vector.broadcast %reduce_sum3A_409 : f32 to vector<16xf32>
      %broadcast_in_dim3A_412 = vector.broadcast %jit3A_410 : f32 to vector<16xf32>
      %select_n3A_413 = arith.select %eq3A_405, %broadcast_in_dim3A_411, %broadcast_in_dim3A_412 : vector<16xi1>, vector<16xf32>
      %add3A_414 = arith.addf %add3A_369, %select_n3A_413 : vector<16xf32>
      %add3A_415 = arith.constant 4 : i32
      %add3A_416 = arith.addi %mul3A_233, %add3A_415 : i32
      %get3A_417 = arith.index_cast %add3A_416 : i32 to index
      %get3A_418 = arith.constant 0 : index
      %get3A_419 = tpu.vector_load %arg12[%get3A_417, %get3A_418] {strides = array<i32>} : memref<512x64xf32, #tpu.memory_space<vmem>>, vector<16xf32>,
      %get3A_420 = arith.index_cast %add3A_416 : i32 to index
      %get3A_421 = arith.constant 0 : index
      %get3A_422 = tpu.vector_load %arg13[%get3A_420, %get3A_421] {strides = array<i32>} : memref<512x64xf32, #tpu.memory_space<vmem>>, vector<16xf32>,
      %mul3A_423 = arith.mulf %get3A_419, %get3A_422 : vector<16xf32>
      %get3A_424 = arith.index_cast %add3A_416 : i32 to index
      %get3A_425 = arith.constant 16 : index
      %get3A_426 = tpu.vector_load %arg12[%get3A_424, %get3A_425] {strides = array<i32>} : memref<512x64xf32, #tpu.memory_space<vmem>>, vector<16xf32>,
      %get3A_427 = arith.index_cast %add3A_416 : i32 to index
      %get3A_428 = arith.constant 16 : index
      %get3A_429 = tpu.vector_load %arg13[%get3A_427, %get3A_428] {strides = array<i32>} : memref<512x64xf32, #tpu.memory_space<vmem>>, vector<16xf32>,
      %mul3A_430 = arith.mulf %get3A_426, %get3A_429 : vector<16xf32>
      %add3A_431 = arith.addf %mul3A_423, %mul3A_430 : vector<16xf32>
      %get3A_432 = arith.index_cast %add3A_416 : i32 to index
      %get3A_433 = arith.constant 32 : index
      %get3A_434 = tpu.vector_load %arg12[%get3A_432, %get3A_433] {strides = array<i32>} : memref<512x64xf32, #tpu.memory_space<vmem>>, vector<16xf32>,
      %get3A_435 = arith.index_cast %add3A_416 : i32 to index
      %get3A_436 = arith.constant 32 : index
      %get3A_437 = tpu.vector_load %arg13[%get3A_435, %get3A_436] {strides = array<i32>} : memref<512x64xf32, #tpu.memory_space<vmem>>, vector<16xf32>,
      %mul3A_438 = arith.mulf %get3A_434, %get3A_437 : vector<16xf32>
      %add3A_439 = arith.addf %add3A_431, %mul3A_438 : vector<16xf32>
      %get3A_440 = arith.index_cast %add3A_416 : i32 to index
      %get3A_441 = arith.constant 48 : index
      %get3A_442 = tpu.vector_load %arg12[%get3A_440, %get3A_441] {strides = array<i32>} : memref<512x64xf32, #tpu.memory_space<vmem>>, vector<16xf32>,
      %get3A_443 = arith.index_cast %add3A_416 : i32 to index
      %get3A_444 = arith.constant 48 : index
      %get3A_445 = tpu.vector_load %arg13[%get3A_443, %get3A_444] {strides = array<i32>} : memref<512x64xf32, #tpu.memory_space<vmem>>, vector<16xf32>,
      %mul3A_446 = arith.mulf %get3A_442, %get3A_445 : vector<16xf32>
      %add3A_447 = arith.addf %add3A_439, %mul3A_446 : vector<16xf32>
      %eq3A_448 = arith.constant 4 : i32
      %eq3A_449 = vector.broadcast %eq3A_448 : i32 to vector<16xi32>
      %eq3A_450 = arith.cmpi eq, %iota3A, %eq3A_449 : vector<16xi32>
      %reduce_sum3A_451 = arith.constant true
      %reduce_sum3A_452 = vector.broadcast %reduce_sum3A_451 : i1 to vector<16xi1>
      %reduce_sum3A_453 = tpu.scan <sum>, %add3A_447 masked %reduce_sum3A_452 : vector<16xf32>, vector<16xi1> -> vector<16xf32>
      %reduce_sum3A_454 = vector.extract %reduce_sum3A_453[15] : f32 from vector<16xf32>
      %jit3A_455 = arith.constant 0.000000e+00 : f32
      %broadcast_in_dim3A_456 = vector.broadcast %reduce_sum3A_454 : f32 to vector<16xf32>
      %broadcast_in_dim3A_457 = vector.broadcast %jit3A_455 : f32 to vector<16xf32>
      %select_n3A_458 = arith.select %eq3A_450, %broadcast_in_dim3A_456, %broadcast_in_dim3A_457 : vector<16xi1>, vector<16xf32>
      %add3A_459 = arith.addf %add3A_414, %select_n3A_458 : vector<16xf32>
      %add3A_460 = arith.constant 5 : i32
      %add3A_461 = arith.addi %mul3A_233, %add3A_460 : i32
      %get3A_462 = arith.index_cast %add3A_461 : i32 to index
      %get3A_463 = arith.constant 0 : index
      %get3A_464 = tpu.vector_load %arg12[%get3A_462, %get3A_463] {strides = array<i32>} : memref<512x64xf32, #tpu.memory_space<vmem>>, vector<16xf32>,
      %get3A_465 = arith.index_cast %add3A_461 : i32 to index
      %get3A_466 = arith.constant 0 : index
      %get3A_467 = tpu.vector_load %arg13[%get3A_465, %get3A_466] {strides = array<i32>} : memref<512x64xf32, #tpu.memory_space<vmem>>, vector<16xf32>,
      %mul3A_468 = arith.mulf %get3A_464, %get3A_467 : vector<16xf32>
      %get3A_469 = arith.index_cast %add3A_461 : i32 to index
      %get3A_470 = arith.constant 16 : index
      %get3A_471 = tpu.vector_load %arg12[%get3A_469, %get3A_470] {strides = array<i32>} : memref<512x64xf32, #tpu.memory_space<vmem>>, vector<16xf32>,
      %get3A_472 = arith.index_cast %add3A_461 : i32 to index
      %get3A_473 = arith.constant 16 : index
      %get3A_474 = tpu.vector_load %arg13[%get3A_472, %get3A_473] {strides = array<i32>} : memref<512x64xf32, #tpu.memory_space<vmem>>, vector<16xf32>,
      %mul3A_475 = arith.mulf %get3A_471, %get3A_474 : vector<16xf32>
      %add3A_476 = arith.addf %mul3A_468, %mul3A_475 : vector<16xf32>
      %get3A_477 = arith.index_cast %add3A_461 : i32 to index
      %get3A_478 = arith.constant 32 : index
      %get3A_479 = tpu.vector_load %arg12[%get3A_477, %get3A_478] {strides = array<i32>} : memref<512x64xf32, #tpu.memory_space<vmem>>, vector<16xf32>,
      %get3A_480 = arith.index_cast %add3A_461 : i32 to index
      %get3A_481 = arith.constant 32 : index
      %get3A_482 = tpu.vector_load %arg13[%get3A_480, %get3A_481] {strides = array<i32>} : memref<512x64xf32, #tpu.memory_space<vmem>>, vector<16xf32>,
      %mul3A_483 = arith.mulf %get3A_479, %get3A_482 : vector<16xf32>
      %add3A_484 = arith.addf %add3A_476, %mul3A_483 : vector<16xf32>
      %get3A_485 = arith.index_cast %add3A_461 : i32 to index
      %get3A_486 = arith.constant 48 : index
      %get3A_487 = tpu.vector_load %arg12[%get3A_485, %get3A_486] {strides = array<i32>} : memref<512x64xf32, #tpu.memory_space<vmem>>, vector<16xf32>,
      %get3A_488 = arith.index_cast %add3A_461 : i32 to index
      %get3A_489 = arith.constant 48 : index
      %get3A_490 = tpu.vector_load %arg13[%get3A_488, %get3A_489] {strides = array<i32>} : memref<512x64xf32, #tpu.memory_space<vmem>>, vector<16xf32>,
      %mul3A_491 = arith.mulf %get3A_487, %get3A_490 : vector<16xf32>
      %add3A_492 = arith.addf %add3A_484, %mul3A_491 : vector<16xf32>
      %eq3A_493 = arith.constant 5 : i32
      %eq3A_494 = vector.broadcast %eq3A_493 : i32 to vector<16xi32>
      %eq3A_495 = arith.cmpi eq, %iota3A, %eq3A_494 : vector<16xi32>
      %reduce_sum3A_496 = arith.constant true
      %reduce_sum3A_497 = vector.broadcast %reduce_sum3A_496 : i1 to vector<16xi1>
      %reduce_sum3A_498 = tpu.scan <sum>, %add3A_492 masked %reduce_sum3A_497 : vector<16xf32>, vector<16xi1> -> vector<16xf32>
      %reduce_sum3A_499 = vector.extract %reduce_sum3A_498[15] : f32 from vector<16xf32>
      %jit3A_500 = arith.constant 0.000000e+00 : f32
      %broadcast_in_dim3A_501 = vector.broadcast %reduce_sum3A_499 : f32 to vector<16xf32>
      %broadcast_in_dim3A_502 = vector.broadcast %jit3A_500 : f32 to vector<16xf32>
      %select_n3A_503 = arith.select %eq3A_495, %broadcast_in_dim3A_501, %broadcast_in_dim3A_502 : vector<16xi1>, vector<16xf32>
      %add3A_504 = arith.addf %add3A_459, %select_n3A_503 : vector<16xf32>
      %add3A_505 = arith.constant 6 : i32
      %add3A_506 = arith.addi %mul3A_233, %add3A_505 : i32
      %get3A_507 = arith.index_cast %add3A_506 : i32 to index
      %get3A_508 = arith.constant 0 : index
      %get3A_509 = tpu.vector_load %arg12[%get3A_507, %get3A_508] {strides = array<i32>} : memref<512x64xf32, #tpu.memory_space<vmem>>, vector<16xf32>,
      %get3A_510 = arith.index_cast %add3A_506 : i32 to index
      %get3A_511 = arith.constant 0 : index
      %get3A_512 = tpu.vector_load %arg13[%get3A_510, %get3A_511] {strides = array<i32>} : memref<512x64xf32, #tpu.memory_space<vmem>>, vector<16xf32>,
      %mul3A_513 = arith.mulf %get3A_509, %get3A_512 : vector<16xf32>
      %get3A_514 = arith.index_cast %add3A_506 : i32 to index
      %get3A_515 = arith.constant 16 : index
      %get3A_516 = tpu.vector_load %arg12[%get3A_514, %get3A_515] {strides = array<i32>} : memref<512x64xf32, #tpu.memory_space<vmem>>, vector<16xf32>,
      %get3A_517 = arith.index_cast %add3A_506 : i32 to index
      %get3A_518 = arith.constant 16 : index
      %get3A_519 = tpu.vector_load %arg13[%get3A_517, %get3A_518] {strides = array<i32>} : memref<512x64xf32, #tpu.memory_space<vmem>>, vector<16xf32>,
      %mul3A_520 = arith.mulf %get3A_516, %get3A_519 : vector<16xf32>
      %add3A_521 = arith.addf %mul3A_513, %mul3A_520 : vector<16xf32>
      %get3A_522 = arith.index_cast %add3A_506 : i32 to index
      %get3A_523 = arith.constant 32 : index
      %get3A_524 = tpu.vector_load %arg12[%get3A_522, %get3A_523] {strides = array<i32>} : memref<512x64xf32, #tpu.memory_space<vmem>>, vector<16xf32>,
      %get3A_525 = arith.index_cast %add3A_506 : i32 to index
      %get3A_526 = arith.constant 32 : index
      %get3A_527 = tpu.vector_load %arg13[%get3A_525, %get3A_526] {strides = array<i32>} : memref<512x64xf32, #tpu.memory_space<vmem>>, vector<16xf32>,
      %mul3A_528 = arith.mulf %get3A_524, %get3A_527 : vector<16xf32>
      %add3A_529 = arith.addf %add3A_521, %mul3A_528 : vector<16xf32>
      %get3A_530 = arith.index_cast %add3A_506 : i32 to index
      %get3A_531 = arith.constant 48 : index
      %get3A_532 = tpu.vector_load %arg12[%get3A_530, %get3A_531] {strides = array<i32>} : memref<512x64xf32, #tpu.memory_space<vmem>>, vector<16xf32>,
      %get3A_533 = arith.index_cast %add3A_506 : i32 to index
      %get3A_534 = arith.constant 48 : index
      %get3A_535 = tpu.vector_load %arg13[%get3A_533, %get3A_534] {strides = array<i32>} : memref<512x64xf32, #tpu.memory_space<vmem>>, vector<16xf32>,
      %mul3A_536 = arith.mulf %get3A_532, %get3A_535 : vector<16xf32>
      %add3A_537 = arith.addf %add3A_529, %mul3A_536 : vector<16xf32>
      %eq3A_538 = arith.constant 6 : i32
      %eq3A_539 = vector.broadcast %eq3A_538 : i32 to vector<16xi32>
      %eq3A_540 = arith.cmpi eq, %iota3A, %eq3A_539 : vector<16xi32>
      %reduce_sum3A_541 = arith.constant true
      %reduce_sum3A_542 = vector.broadcast %reduce_sum3A_541 : i1 to vector<16xi1>
      %reduce_sum3A_543 = tpu.scan <sum>, %add3A_537 masked %reduce_sum3A_542 : vector<16xf32>, vector<16xi1> -> vector<16xf32>
      %reduce_sum3A_544 = vector.extract %reduce_sum3A_543[15] : f32 from vector<16xf32>
      %jit3A_545 = arith.constant 0.000000e+00 : f32
      %broadcast_in_dim3A_546 = vector.broadcast %reduce_sum3A_544 : f32 to vector<16xf32>
      %broadcast_in_dim3A_547 = vector.broadcast %jit3A_545 : f32 to vector<16xf32>
      %select_n3A_548 = arith.select %eq3A_540, %broadcast_in_dim3A_546, %broadcast_in_dim3A_547 : vector<16xi1>, vector<16xf32>
      %add3A_549 = arith.addf %add3A_504, %select_n3A_548 : vector<16xf32>
      %add3A_550 = arith.constant 7 : i32
      %add3A_551 = arith.addi %mul3A_233, %add3A_550 : i32
      %get3A_552 = arith.index_cast %add3A_551 : i32 to index
      %get3A_553 = arith.constant 0 : index
      %get3A_554 = tpu.vector_load %arg12[%get3A_552, %get3A_553] {strides = array<i32>} : memref<512x64xf32, #tpu.memory_space<vmem>>, vector<16xf32>,
      %get3A_555 = arith.index_cast %add3A_551 : i32 to index
      %get3A_556 = arith.constant 0 : index
      %get3A_557 = tpu.vector_load %arg13[%get3A_555, %get3A_556] {strides = array<i32>} : memref<512x64xf32, #tpu.memory_space<vmem>>, vector<16xf32>,
      %mul3A_558 = arith.mulf %get3A_554, %get3A_557 : vector<16xf32>
      %get3A_559 = arith.index_cast %add3A_551 : i32 to index
      %get3A_560 = arith.constant 16 : index
      %get3A_561 = tpu.vector_load %arg12[%get3A_559, %get3A_560] {strides = array<i32>} : memref<512x64xf32, #tpu.memory_space<vmem>>, vector<16xf32>,
      %get3A_562 = arith.index_cast %add3A_551 : i32 to index
      %get3A_563 = arith.constant 16 : index
      %get3A_564 = tpu.vector_load %arg13[%get3A_562, %get3A_563] {strides = array<i32>} : memref<512x64xf32, #tpu.memory_space<vmem>>, vector<16xf32>,
      %mul3A_565 = arith.mulf %get3A_561, %get3A_564 : vector<16xf32>
      %add3A_566 = arith.addf %mul3A_558, %mul3A_565 : vector<16xf32>
      %get3A_567 = arith.index_cast %add3A_551 : i32 to index
      %get3A_568 = arith.constant 32 : index
      %get3A_569 = tpu.vector_load %arg12[%get3A_567, %get3A_568] {strides = array<i32>} : memref<512x64xf32, #tpu.memory_space<vmem>>, vector<16xf32>,
      %get3A_570 = arith.index_cast %add3A_551 : i32 to index
      %get3A_571 = arith.constant 32 : index
      %get3A_572 = tpu.vector_load %arg13[%get3A_570, %get3A_571] {strides = array<i32>} : memref<512x64xf32, #tpu.memory_space<vmem>>, vector<16xf32>,
      %mul3A_573 = arith.mulf %get3A_569, %get3A_572 : vector<16xf32>
      %add3A_574 = arith.addf %add3A_566, %mul3A_573 : vector<16xf32>
      %get3A_575 = arith.index_cast %add3A_551 : i32 to index
      %get3A_576 = arith.constant 48 : index
      %get3A_577 = tpu.vector_load %arg12[%get3A_575, %get3A_576] {strides = array<i32>} : memref<512x64xf32, #tpu.memory_space<vmem>>, vector<16xf32>,
      %get3A_578 = arith.index_cast %add3A_551 : i32 to index
      %get3A_579 = arith.constant 48 : index
      %get3A_580 = tpu.vector_load %arg13[%get3A_578, %get3A_579] {strides = array<i32>} : memref<512x64xf32, #tpu.memory_space<vmem>>, vector<16xf32>,
      %mul3A_581 = arith.mulf %get3A_577, %get3A_580 : vector<16xf32>
      %add3A_582 = arith.addf %add3A_574, %mul3A_581 : vector<16xf32>
      %eq3A_583 = arith.constant 7 : i32
      %eq3A_584 = vector.broadcast %eq3A_583 : i32 to vector<16xi32>
      %eq3A_585 = arith.cmpi eq, %iota3A, %eq3A_584 : vector<16xi32>
      %reduce_sum3A_586 = arith.constant true
      %reduce_sum3A_587 = vector.broadcast %reduce_sum3A_586 : i1 to vector<16xi1>
      %reduce_sum3A_588 = tpu.scan <sum>, %add3A_582 masked %reduce_sum3A_587 : vector<16xf32>, vector<16xi1> -> vector<16xf32>
      %reduce_sum3A_589 = vector.extract %reduce_sum3A_588[15] : f32 from vector<16xf32>
      %jit3A_590 = arith.constant 0.000000e+00 : f32
      %broadcast_in_dim3A_591 = vector.broadcast %reduce_sum3A_589 : f32 to vector<16xf32>
      %broadcast_in_dim3A_592 = vector.broadcast %jit3A_590 : f32 to vector<16xf32>
      %select_n3A_593 = arith.select %eq3A_585, %broadcast_in_dim3A_591, %broadcast_in_dim3A_592 : vector<16xi1>, vector<16xf32>
      %add3A_594 = arith.addf %add3A_549, %select_n3A_593 : vector<16xf32>
      %add3A_595 = arith.constant 8 : i32
      %add3A_596 = arith.addi %mul3A_233, %add3A_595 : i32
      %get3A_597 = arith.index_cast %add3A_596 : i32 to index
      %get3A_598 = arith.constant 0 : index
      %get3A_599 = tpu.vector_load %arg12[%get3A_597, %get3A_598] {strides = array<i32>} : memref<512x64xf32, #tpu.memory_space<vmem>>, vector<16xf32>,
      %get3A_600 = arith.index_cast %add3A_596 : i32 to index
      %get3A_601 = arith.constant 0 : index
      %get3A_602 = tpu.vector_load %arg13[%get3A_600, %get3A_601] {strides = array<i32>} : memref<512x64xf32, #tpu.memory_space<vmem>>, vector<16xf32>,
      %mul3A_603 = arith.mulf %get3A_599, %get3A_602 : vector<16xf32>
      %get3A_604 = arith.index_cast %add3A_596 : i32 to index
      %get3A_605 = arith.constant 16 : index
      %get3A_606 = tpu.vector_load %arg12[%get3A_604, %get3A_605] {strides = array<i32>} : memref<512x64xf32, #tpu.memory_space<vmem>>, vector<16xf32>,
      %get3A_607 = arith.index_cast %add3A_596 : i32 to index
      %get3A_608 = arith.constant 16 : index
      %get3A_609 = tpu.vector_load %arg13[%get3A_607, %get3A_608] {strides = array<i32>} : memref<512x64xf32, #tpu.memory_space<vmem>>, vector<16xf32>,
      %mul3A_610 = arith.mulf %get3A_606, %get3A_609 : vector<16xf32>
      %add3A_611 = arith.addf %mul3A_603, %mul3A_610 : vector<16xf32>
      %get3A_612 = arith.index_cast %add3A_596 : i32 to index
      %get3A_613 = arith.constant 32 : index
      %get3A_614 = tpu.vector_load %arg12[%get3A_612, %get3A_613] {strides = array<i32>} : memref<512x64xf32, #tpu.memory_space<vmem>>, vector<16xf32>,
      %get3A_615 = arith.index_cast %add3A_596 : i32 to index
      %get3A_616 = arith.constant 32 : index
      %get3A_617 = tpu.vector_load %arg13[%get3A_615, %get3A_616] {strides = array<i32>} : memref<512x64xf32, #tpu.memory_space<vmem>>, vector<16xf32>,
      %mul3A_618 = arith.mulf %get3A_614, %get3A_617 : vector<16xf32>
      %add3A_619 = arith.addf %add3A_611, %mul3A_618 : vector<16xf32>
      %get3A_620 = arith.index_cast %add3A_596 : i32 to index
      %get3A_621 = arith.constant 48 : index
      %get3A_622 = tpu.vector_load %arg12[%get3A_620, %get3A_621] {strides = array<i32>} : memref<512x64xf32, #tpu.memory_space<vmem>>, vector<16xf32>,
      %get3A_623 = arith.index_cast %add3A_596 : i32 to index
      %get3A_624 = arith.constant 48 : index
      %get3A_625 = tpu.vector_load %arg13[%get3A_623, %get3A_624] {strides = array<i32>} : memref<512x64xf32, #tpu.memory_space<vmem>>, vector<16xf32>,
      %mul3A_626 = arith.mulf %get3A_622, %get3A_625 : vector<16xf32>
      %add3A_627 = arith.addf %add3A_619, %mul3A_626 : vector<16xf32>
      %eq3A_628 = arith.constant 8 : i32
      %eq3A_629 = vector.broadcast %eq3A_628 : i32 to vector<16xi32>
      %eq3A_630 = arith.cmpi eq, %iota3A, %eq3A_629 : vector<16xi32>
      %reduce_sum3A_631 = arith.constant true
      %reduce_sum3A_632 = vector.broadcast %reduce_sum3A_631 : i1 to vector<16xi1>
      %reduce_sum3A_633 = tpu.scan <sum>, %add3A_627 masked %reduce_sum3A_632 : vector<16xf32>, vector<16xi1> -> vector<16xf32>
      %reduce_sum3A_634 = vector.extract %reduce_sum3A_633[15] : f32 from vector<16xf32>
      %jit3A_635 = arith.constant 0.000000e+00 : f32
      %broadcast_in_dim3A_636 = vector.broadcast %reduce_sum3A_634 : f32 to vector<16xf32>
      %broadcast_in_dim3A_637 = vector.broadcast %jit3A_635 : f32 to vector<16xf32>
      %select_n3A_638 = arith.select %eq3A_630, %broadcast_in_dim3A_636, %broadcast_in_dim3A_637 : vector<16xi1>, vector<16xf32>
      %add3A_639 = arith.addf %add3A_594, %select_n3A_638 : vector<16xf32>
      %add3A_640 = arith.constant 9 : i32
      %add3A_641 = arith.addi %mul3A_233, %add3A_640 : i32
      %get3A_642 = arith.index_cast %add3A_641 : i32 to index
      %get3A_643 = arith.constant 0 : index
      %get3A_644 = tpu.vector_load %arg12[%get3A_642, %get3A_643] {strides = array<i32>} : memref<512x64xf32, #tpu.memory_space<vmem>>, vector<16xf32>,
      %get3A_645 = arith.index_cast %add3A_641 : i32 to index
      %get3A_646 = arith.constant 0 : index
      %get3A_647 = tpu.vector_load %arg13[%get3A_645, %get3A_646] {strides = array<i32>} : memref<512x64xf32, #tpu.memory_space<vmem>>, vector<16xf32>,
      %mul3A_648 = arith.mulf %get3A_644, %get3A_647 : vector<16xf32>
      %get3A_649 = arith.index_cast %add3A_641 : i32 to index
      %get3A_650 = arith.constant 16 : index
      %get3A_651 = tpu.vector_load %arg12[%get3A_649, %get3A_650] {strides = array<i32>} : memref<512x64xf32, #tpu.memory_space<vmem>>, vector<16xf32>,
      %get3A_652 = arith.index_cast %add3A_641 : i32 to index
      %get3A_653 = arith.constant 16 : index
      %get3A_654 = tpu.vector_load %arg13[%get3A_652, %get3A_653] {strides = array<i32>} : memref<512x64xf32, #tpu.memory_space<vmem>>, vector<16xf32>,
      %mul3A_655 = arith.mulf %get3A_651, %get3A_654 : vector<16xf32>
      %add3A_656 = arith.addf %mul3A_648, %mul3A_655 : vector<16xf32>
      %get3A_657 = arith.index_cast %add3A_641 : i32 to index
      %get3A_658 = arith.constant 32 : index
      %get3A_659 = tpu.vector_load %arg12[%get3A_657, %get3A_658] {strides = array<i32>} : memref<512x64xf32, #tpu.memory_space<vmem>>, vector<16xf32>,
      %get3A_660 = arith.index_cast %add3A_641 : i32 to index
      %get3A_661 = arith.constant 32 : index
      %get3A_662 = tpu.vector_load %arg13[%get3A_660, %get3A_661] {strides = array<i32>} : memref<512x64xf32, #tpu.memory_space<vmem>>, vector<16xf32>,
      %mul3A_663 = arith.mulf %get3A_659, %get3A_662 : vector<16xf32>
      %add3A_664 = arith.addf %add3A_656, %mul3A_663 : vector<16xf32>
      %get3A_665 = arith.index_cast %add3A_641 : i32 to index
      %get3A_666 = arith.constant 48 : index
      %get3A_667 = tpu.vector_load %arg12[%get3A_665, %get3A_666] {strides = array<i32>} : memref<512x64xf32, #tpu.memory_space<vmem>>, vector<16xf32>,
      %get3A_668 = arith.index_cast %add3A_641 : i32 to index
      %get3A_669 = arith.constant 48 : index
      %get3A_670 = tpu.vector_load %arg13[%get3A_668, %get3A_669] {strides = array<i32>} : memref<512x64xf32, #tpu.memory_space<vmem>>, vector<16xf32>,
      %mul3A_671 = arith.mulf %get3A_667, %get3A_670 : vector<16xf32>
      %add3A_672 = arith.addf %add3A_664, %mul3A_671 : vector<16xf32>
      %eq3A_673 = arith.constant 9 : i32
      %eq3A_674 = vector.broadcast %eq3A_673 : i32 to vector<16xi32>
      %eq3A_675 = arith.cmpi eq, %iota3A, %eq3A_674 : vector<16xi32>
      %reduce_sum3A_676 = arith.constant true
      %reduce_sum3A_677 = vector.broadcast %reduce_sum3A_676 : i1 to vector<16xi1>
      %reduce_sum3A_678 = tpu.scan <sum>, %add3A_672 masked %reduce_sum3A_677 : vector<16xf32>, vector<16xi1> -> vector<16xf32>
      %reduce_sum3A_679 = vector.extract %reduce_sum3A_678[15] : f32 from vector<16xf32>
      %jit3A_680 = arith.constant 0.000000e+00 : f32
      %broadcast_in_dim3A_681 = vector.broadcast %reduce_sum3A_679 : f32 to vector<16xf32>
      %broadcast_in_dim3A_682 = vector.broadcast %jit3A_680 : f32 to vector<16xf32>
      %select_n3A_683 = arith.select %eq3A_675, %broadcast_in_dim3A_681, %broadcast_in_dim3A_682 : vector<16xi1>, vector<16xf32>
      %add3A_684 = arith.addf %add3A_639, %select_n3A_683 : vector<16xf32>
      %add3A_685 = arith.constant 10 : i32
      %add3A_686 = arith.addi %mul3A_233, %add3A_685 : i32
      %get3A_687 = arith.index_cast %add3A_686 : i32 to index
      %get3A_688 = arith.constant 0 : index
      %get3A_689 = tpu.vector_load %arg12[%get3A_687, %get3A_688] {strides = array<i32>} : memref<512x64xf32, #tpu.memory_space<vmem>>, vector<16xf32>,
      %get3A_690 = arith.index_cast %add3A_686 : i32 to index
      %get3A_691 = arith.constant 0 : index
      %get3A_692 = tpu.vector_load %arg13[%get3A_690, %get3A_691] {strides = array<i32>} : memref<512x64xf32, #tpu.memory_space<vmem>>, vector<16xf32>,
      %mul3A_693 = arith.mulf %get3A_689, %get3A_692 : vector<16xf32>
      %get3A_694 = arith.index_cast %add3A_686 : i32 to index
      %get3A_695 = arith.constant 16 : index
      %get3A_696 = tpu.vector_load %arg12[%get3A_694, %get3A_695] {strides = array<i32>} : memref<512x64xf32, #tpu.memory_space<vmem>>, vector<16xf32>,
      %get3A_697 = arith.index_cast %add3A_686 : i32 to index
      %get3A_698 = arith.constant 16 : index
      %get3A_699 = tpu.vector_load %arg13[%get3A_697, %get3A_698] {strides = array<i32>} : memref<512x64xf32, #tpu.memory_space<vmem>>, vector<16xf32>,
      %mul3A_700 = arith.mulf %get3A_696, %get3A_699 : vector<16xf32>
      %add3A_701 = arith.addf %mul3A_693, %mul3A_700 : vector<16xf32>
      %get3A_702 = arith.index_cast %add3A_686 : i32 to index
      %get3A_703 = arith.constant 32 : index
      %get3A_704 = tpu.vector_load %arg12[%get3A_702, %get3A_703] {strides = array<i32>} : memref<512x64xf32, #tpu.memory_space<vmem>>, vector<16xf32>,
      %get3A_705 = arith.index_cast %add3A_686 : i32 to index
      %get3A_706 = arith.constant 32 : index
      %get3A_707 = tpu.vector_load %arg13[%get3A_705, %get3A_706] {strides = array<i32>} : memref<512x64xf32, #tpu.memory_space<vmem>>, vector<16xf32>,
      %mul3A_708 = arith.mulf %get3A_704, %get3A_707 : vector<16xf32>
      %add3A_709 = arith.addf %add3A_701, %mul3A_708 : vector<16xf32>
      %get3A_710 = arith.index_cast %add3A_686 : i32 to index
      %get3A_711 = arith.constant 48 : index
      %get3A_712 = tpu.vector_load %arg12[%get3A_710, %get3A_711] {strides = array<i32>} : memref<512x64xf32, #tpu.memory_space<vmem>>, vector<16xf32>,
      %get3A_713 = arith.index_cast %add3A_686 : i32 to index
      %get3A_714 = arith.constant 48 : index
      %get3A_715 = tpu.vector_load %arg13[%get3A_713, %get3A_714] {strides = array<i32>} : memref<512x64xf32, #tpu.memory_space<vmem>>, vector<16xf32>,
      %mul3A_716 = arith.mulf %get3A_712, %get3A_715 : vector<16xf32>
      %add3A_717 = arith.addf %add3A_709, %mul3A_716 : vector<16xf32>
      %eq3A_718 = arith.constant 10 : i32
      %eq3A_719 = vector.broadcast %eq3A_718 : i32 to vector<16xi32>
      %eq3A_720 = arith.cmpi eq, %iota3A, %eq3A_719 : vector<16xi32>
      %reduce_sum3A_721 = arith.constant true
      %reduce_sum3A_722 = vector.broadcast %reduce_sum3A_721 : i1 to vector<16xi1>
      %reduce_sum3A_723 = tpu.scan <sum>, %add3A_717 masked %reduce_sum3A_722 : vector<16xf32>, vector<16xi1> -> vector<16xf32>
      %reduce_sum3A_724 = vector.extract %reduce_sum3A_723[15] : f32 from vector<16xf32>
      %jit3A_725 = arith.constant 0.000000e+00 : f32
      %broadcast_in_dim3A_726 = vector.broadcast %reduce_sum3A_724 : f32 to vector<16xf32>
      %broadcast_in_dim3A_727 = vector.broadcast %jit3A_725 : f32 to vector<16xf32>
      %select_n3A_728 = arith.select %eq3A_720, %broadcast_in_dim3A_726, %broadcast_in_dim3A_727 : vector<16xi1>, vector<16xf32>
      %add3A_729 = arith.addf %add3A_684, %select_n3A_728 : vector<16xf32>
      %add3A_730 = arith.constant 11 : i32
      %add3A_731 = arith.addi %mul3A_233, %add3A_730 : i32
      %get3A_732 = arith.index_cast %add3A_731 : i32 to index
      %get3A_733 = arith.constant 0 : index
      %get3A_734 = tpu.vector_load %arg12[%get3A_732, %get3A_733] {strides = array<i32>} : memref<512x64xf32, #tpu.memory_space<vmem>>, vector<16xf32>,
      %get3A_735 = arith.index_cast %add3A_731 : i32 to index
      %get3A_736 = arith.constant 0 : index
      %get3A_737 = tpu.vector_load %arg13[%get3A_735, %get3A_736] {strides = array<i32>} : memref<512x64xf32, #tpu.memory_space<vmem>>, vector<16xf32>,
      %mul3A_738 = arith.mulf %get3A_734, %get3A_737 : vector<16xf32>
      %get3A_739 = arith.index_cast %add3A_731 : i32 to index
      %get3A_740 = arith.constant 16 : index
      %get3A_741 = tpu.vector_load %arg12[%get3A_739, %get3A_740] {strides = array<i32>} : memref<512x64xf32, #tpu.memory_space<vmem>>, vector<16xf32>,
      %get3A_742 = arith.index_cast %add3A_731 : i32 to index
      %get3A_743 = arith.constant 16 : index
      %get3A_744 = tpu.vector_load %arg13[%get3A_742, %get3A_743] {strides = array<i32>} : memref<512x64xf32, #tpu.memory_space<vmem>>, vector<16xf32>,
      %mul3A_745 = arith.mulf %get3A_741, %get3A_744 : vector<16xf32>
      %add3A_746 = arith.addf %mul3A_738, %mul3A_745 : vector<16xf32>
      %get3A_747 = arith.index_cast %add3A_731 : i32 to index
      %get3A_748 = arith.constant 32 : index
      %get3A_749 = tpu.vector_load %arg12[%get3A_747, %get3A_748] {strides = array<i32>} : memref<512x64xf32, #tpu.memory_space<vmem>>, vector<16xf32>,
      %get3A_750 = arith.index_cast %add3A_731 : i32 to index
      %get3A_751 = arith.constant 32 : index
      %get3A_752 = tpu.vector_load %arg13[%get3A_750, %get3A_751] {strides = array<i32>} : memref<512x64xf32, #tpu.memory_space<vmem>>, vector<16xf32>,
      %mul3A_753 = arith.mulf %get3A_749, %get3A_752 : vector<16xf32>
      %add3A_754 = arith.addf %add3A_746, %mul3A_753 : vector<16xf32>
      %get3A_755 = arith.index_cast %add3A_731 : i32 to index
      %get3A_756 = arith.constant 48 : index
      %get3A_757 = tpu.vector_load %arg12[%get3A_755, %get3A_756] {strides = array<i32>} : memref<512x64xf32, #tpu.memory_space<vmem>>, vector<16xf32>,
      %get3A_758 = arith.index_cast %add3A_731 : i32 to index
      %get3A_759 = arith.constant 48 : index
      %get3A_760 = tpu.vector_load %arg13[%get3A_758, %get3A_759] {strides = array<i32>} : memref<512x64xf32, #tpu.memory_space<vmem>>, vector<16xf32>,
      %mul3A_761 = arith.mulf %get3A_757, %get3A_760 : vector<16xf32>
      %add3A_762 = arith.addf %add3A_754, %mul3A_761 : vector<16xf32>
      %eq3A_763 = arith.constant 11 : i32
      %eq3A_764 = vector.broadcast %eq3A_763 : i32 to vector<16xi32>
      %eq3A_765 = arith.cmpi eq, %iota3A, %eq3A_764 : vector<16xi32>
      %reduce_sum3A_766 = arith.constant true
      %reduce_sum3A_767 = vector.broadcast %reduce_sum3A_766 : i1 to vector<16xi1>
      %reduce_sum3A_768 = tpu.scan <sum>, %add3A_762 masked %reduce_sum3A_767 : vector<16xf32>, vector<16xi1> -> vector<16xf32>
      %reduce_sum3A_769 = vector.extract %reduce_sum3A_768[15] : f32 from vector<16xf32>
      %jit3A_770 = arith.constant 0.000000e+00 : f32
      %broadcast_in_dim3A_771 = vector.broadcast %reduce_sum3A_769 : f32 to vector<16xf32>
      %broadcast_in_dim3A_772 = vector.broadcast %jit3A_770 : f32 to vector<16xf32>
      %select_n3A_773 = arith.select %eq3A_765, %broadcast_in_dim3A_771, %broadcast_in_dim3A_772 : vector<16xi1>, vector<16xf32>
      %add3A_774 = arith.addf %add3A_729, %select_n3A_773 : vector<16xf32>
      %add3A_775 = arith.constant 12 : i32
      %add3A_776 = arith.addi %mul3A_233, %add3A_775 : i32
      %get3A_777 = arith.index_cast %add3A_776 : i32 to index
      %get3A_778 = arith.constant 0 : index
      %get3A_779 = tpu.vector_load %arg12[%get3A_777, %get3A_778] {strides = array<i32>} : memref<512x64xf32, #tpu.memory_space<vmem>>, vector<16xf32>,
      %get3A_780 = arith.index_cast %add3A_776 : i32 to index
      %get3A_781 = arith.constant 0 : index
      %get3A_782 = tpu.vector_load %arg13[%get3A_780, %get3A_781] {strides = array<i32>} : memref<512x64xf32, #tpu.memory_space<vmem>>, vector<16xf32>,
      %mul3A_783 = arith.mulf %get3A_779, %get3A_782 : vector<16xf32>
      %get3A_784 = arith.index_cast %add3A_776 : i32 to index
      %get3A_785 = arith.constant 16 : index
      %get3A_786 = tpu.vector_load %arg12[%get3A_784, %get3A_785] {strides = array<i32>} : memref<512x64xf32, #tpu.memory_space<vmem>>, vector<16xf32>,
      %get3A_787 = arith.index_cast %add3A_776 : i32 to index
      %get3A_788 = arith.constant 16 : index
      %get3A_789 = tpu.vector_load %arg13[%get3A_787, %get3A_788] {strides = array<i32>} : memref<512x64xf32, #tpu.memory_space<vmem>>, vector<16xf32>,
      %mul3A_790 = arith.mulf %get3A_786, %get3A_789 : vector<16xf32>
      %add3A_791 = arith.addf %mul3A_783, %mul3A_790 : vector<16xf32>
      %get3A_792 = arith.index_cast %add3A_776 : i32 to index
      %get3A_793 = arith.constant 32 : index
      %get3A_794 = tpu.vector_load %arg12[%get3A_792, %get3A_793] {strides = array<i32>} : memref<512x64xf32, #tpu.memory_space<vmem>>, vector<16xf32>,
      %get3A_795 = arith.index_cast %add3A_776 : i32 to index
      %get3A_796 = arith.constant 32 : index
      %get3A_797 = tpu.vector_load %arg13[%get3A_795, %get3A_796] {strides = array<i32>} : memref<512x64xf32, #tpu.memory_space<vmem>>, vector<16xf32>,
      %mul3A_798 = arith.mulf %get3A_794, %get3A_797 : vector<16xf32>
      %add3A_799 = arith.addf %add3A_791, %mul3A_798 : vector<16xf32>
      %get3A_800 = arith.index_cast %add3A_776 : i32 to index
      %get3A_801 = arith.constant 48 : index
      %get3A_802 = tpu.vector_load %arg12[%get3A_800, %get3A_801] {strides = array<i32>} : memref<512x64xf32, #tpu.memory_space<vmem>>, vector<16xf32>,
      %get3A_803 = arith.index_cast %add3A_776 : i32 to index
      %get3A_804 = arith.constant 48 : index
      %get3A_805 = tpu.vector_load %arg13[%get3A_803, %get3A_804] {strides = array<i32>} : memref<512x64xf32, #tpu.memory_space<vmem>>, vector<16xf32>,
      %mul3A_806 = arith.mulf %get3A_802, %get3A_805 : vector<16xf32>
      %add3A_807 = arith.addf %add3A_799, %mul3A_806 : vector<16xf32>
      %eq3A_808 = arith.constant 12 : i32
      %eq3A_809 = vector.broadcast %eq3A_808 : i32 to vector<16xi32>
      %eq3A_810 = arith.cmpi eq, %iota3A, %eq3A_809 : vector<16xi32>
      %reduce_sum3A_811 = arith.constant true
      %reduce_sum3A_812 = vector.broadcast %reduce_sum3A_811 : i1 to vector<16xi1>
      %reduce_sum3A_813 = tpu.scan <sum>, %add3A_807 masked %reduce_sum3A_812 : vector<16xf32>, vector<16xi1> -> vector<16xf32>
      %reduce_sum3A_814 = vector.extract %reduce_sum3A_813[15] : f32 from vector<16xf32>
      %jit3A_815 = arith.constant 0.000000e+00 : f32
      %broadcast_in_dim3A_816 = vector.broadcast %reduce_sum3A_814 : f32 to vector<16xf32>
      %broadcast_in_dim3A_817 = vector.broadcast %jit3A_815 : f32 to vector<16xf32>
      %select_n3A_818 = arith.select %eq3A_810, %broadcast_in_dim3A_816, %broadcast_in_dim3A_817 : vector<16xi1>, vector<16xf32>
      %add3A_819 = arith.addf %add3A_774, %select_n3A_818 : vector<16xf32>
      %add3A_820 = arith.constant 13 : i32
      %add3A_821 = arith.addi %mul3A_233, %add3A_820 : i32
      %get3A_822 = arith.index_cast %add3A_821 : i32 to index
      %get3A_823 = arith.constant 0 : index
      %get3A_824 = tpu.vector_load %arg12[%get3A_822, %get3A_823] {strides = array<i32>} : memref<512x64xf32, #tpu.memory_space<vmem>>, vector<16xf32>,
      %get3A_825 = arith.index_cast %add3A_821 : i32 to index
      %get3A_826 = arith.constant 0 : index
      %get3A_827 = tpu.vector_load %arg13[%get3A_825, %get3A_826] {strides = array<i32>} : memref<512x64xf32, #tpu.memory_space<vmem>>, vector<16xf32>,
      %mul3A_828 = arith.mulf %get3A_824, %get3A_827 : vector<16xf32>
      %get3A_829 = arith.index_cast %add3A_821 : i32 to index
      %get3A_830 = arith.constant 16 : index
      %get3A_831 = tpu.vector_load %arg12[%get3A_829, %get3A_830] {strides = array<i32>} : memref<512x64xf32, #tpu.memory_space<vmem>>, vector<16xf32>,
      %get3A_832 = arith.index_cast %add3A_821 : i32 to index
      %get3A_833 = arith.constant 16 : index
      %get3A_834 = tpu.vector_load %arg13[%get3A_832, %get3A_833] {strides = array<i32>} : memref<512x64xf32, #tpu.memory_space<vmem>>, vector<16xf32>,
      %mul3A_835 = arith.mulf %get3A_831, %get3A_834 : vector<16xf32>
      %add3A_836 = arith.addf %mul3A_828, %mul3A_835 : vector<16xf32>
      %get3A_837 = arith.index_cast %add3A_821 : i32 to index
      %get3A_838 = arith.constant 32 : index
      %get3A_839 = tpu.vector_load %arg12[%get3A_837, %get3A_838] {strides = array<i32>} : memref<512x64xf32, #tpu.memory_space<vmem>>, vector<16xf32>,
      %get3A_840 = arith.index_cast %add3A_821 : i32 to index
      %get3A_841 = arith.constant 32 : index
      %get3A_842 = tpu.vector_load %arg13[%get3A_840, %get3A_841] {strides = array<i32>} : memref<512x64xf32, #tpu.memory_space<vmem>>, vector<16xf32>,
      %mul3A_843 = arith.mulf %get3A_839, %get3A_842 : vector<16xf32>
      %add3A_844 = arith.addf %add3A_836, %mul3A_843 : vector<16xf32>
      %get3A_845 = arith.index_cast %add3A_821 : i32 to index
      %get3A_846 = arith.constant 48 : index
      %get3A_847 = tpu.vector_load %arg12[%get3A_845, %get3A_846] {strides = array<i32>} : memref<512x64xf32, #tpu.memory_space<vmem>>, vector<16xf32>,
      %get3A_848 = arith.index_cast %add3A_821 : i32 to index
      %get3A_849 = arith.constant 48 : index
      %get3A_850 = tpu.vector_load %arg13[%get3A_848, %get3A_849] {strides = array<i32>} : memref<512x64xf32, #tpu.memory_space<vmem>>, vector<16xf32>,
      %mul3A_851 = arith.mulf %get3A_847, %get3A_850 : vector<16xf32>
      %add3A_852 = arith.addf %add3A_844, %mul3A_851 : vector<16xf32>
      %eq3A_853 = arith.constant 13 : i32
      %eq3A_854 = vector.broadcast %eq3A_853 : i32 to vector<16xi32>
      %eq3A_855 = arith.cmpi eq, %iota3A, %eq3A_854 : vector<16xi32>
      %reduce_sum3A_856 = arith.constant true
      %reduce_sum3A_857 = vector.broadcast %reduce_sum3A_856 : i1 to vector<16xi1>
      %reduce_sum3A_858 = tpu.scan <sum>, %add3A_852 masked %reduce_sum3A_857 : vector<16xf32>, vector<16xi1> -> vector<16xf32>
      %reduce_sum3A_859 = vector.extract %reduce_sum3A_858[15] : f32 from vector<16xf32>
      %jit3A_860 = arith.constant 0.000000e+00 : f32
      %broadcast_in_dim3A_861 = vector.broadcast %reduce_sum3A_859 : f32 to vector<16xf32>
      %broadcast_in_dim3A_862 = vector.broadcast %jit3A_860 : f32 to vector<16xf32>
      %select_n3A_863 = arith.select %eq3A_855, %broadcast_in_dim3A_861, %broadcast_in_dim3A_862 : vector<16xi1>, vector<16xf32>
      %add3A_864 = arith.addf %add3A_819, %select_n3A_863 : vector<16xf32>
      %add3A_865 = arith.constant 14 : i32
      %add3A_866 = arith.addi %mul3A_233, %add3A_865 : i32
      %get3A_867 = arith.index_cast %add3A_866 : i32 to index
      %get3A_868 = arith.constant 0 : index
      %get3A_869 = tpu.vector_load %arg12[%get3A_867, %get3A_868] {strides = array<i32>} : memref<512x64xf32, #tpu.memory_space<vmem>>, vector<16xf32>,
      %get3A_870 = arith.index_cast %add3A_866 : i32 to index
      %get3A_871 = arith.constant 0 : index
      %get3A_872 = tpu.vector_load %arg13[%get3A_870, %get3A_871] {strides = array<i32>} : memref<512x64xf32, #tpu.memory_space<vmem>>, vector<16xf32>,
      %mul3A_873 = arith.mulf %get3A_869, %get3A_872 : vector<16xf32>
      %get3A_874 = arith.index_cast %add3A_866 : i32 to index
      %get3A_875 = arith.constant 16 : index
      %get3A_876 = tpu.vector_load %arg12[%get3A_874, %get3A_875] {strides = array<i32>} : memref<512x64xf32, #tpu.memory_space<vmem>>, vector<16xf32>,
      %get3A_877 = arith.index_cast %add3A_866 : i32 to index
      %get3A_878 = arith.constant 16 : index
      %get3A_879 = tpu.vector_load %arg13[%get3A_877, %get3A_878] {strides = array<i32>} : memref<512x64xf32, #tpu.memory_space<vmem>>, vector<16xf32>,
      %mul3A_880 = arith.mulf %get3A_876, %get3A_879 : vector<16xf32>
      %add3A_881 = arith.addf %mul3A_873, %mul3A_880 : vector<16xf32>
      %get3A_882 = arith.index_cast %add3A_866 : i32 to index
      %get3A_883 = arith.constant 32 : index
      %get3A_884 = tpu.vector_load %arg12[%get3A_882, %get3A_883] {strides = array<i32>} : memref<512x64xf32, #tpu.memory_space<vmem>>, vector<16xf32>,
      %get3A_885 = arith.index_cast %add3A_866 : i32 to index
      %get3A_886 = arith.constant 32 : index
      %get3A_887 = tpu.vector_load %arg13[%get3A_885, %get3A_886] {strides = array<i32>} : memref<512x64xf32, #tpu.memory_space<vmem>>, vector<16xf32>,
      %mul3A_888 = arith.mulf %get3A_884, %get3A_887 : vector<16xf32>
      %add3A_889 = arith.addf %add3A_881, %mul3A_888 : vector<16xf32>
      %get3A_890 = arith.index_cast %add3A_866 : i32 to index
      %get3A_891 = arith.constant 48 : index
      %get3A_892 = tpu.vector_load %arg12[%get3A_890, %get3A_891] {strides = array<i32>} : memref<512x64xf32, #tpu.memory_space<vmem>>, vector<16xf32>,
      %get3A_893 = arith.index_cast %add3A_866 : i32 to index
      %get3A_894 = arith.constant 48 : index
      %get3A_895 = tpu.vector_load %arg13[%get3A_893, %get3A_894] {strides = array<i32>} : memref<512x64xf32, #tpu.memory_space<vmem>>, vector<16xf32>,
      %mul3A_896 = arith.mulf %get3A_892, %get3A_895 : vector<16xf32>
      %add3A_897 = arith.addf %add3A_889, %mul3A_896 : vector<16xf32>
      %eq3A_898 = arith.constant 14 : i32
      %eq3A_899 = vector.broadcast %eq3A_898 : i32 to vector<16xi32>
      %eq3A_900 = arith.cmpi eq, %iota3A, %eq3A_899 : vector<16xi32>
      %reduce_sum3A_901 = arith.constant true
      %reduce_sum3A_902 = vector.broadcast %reduce_sum3A_901 : i1 to vector<16xi1>
      %reduce_sum3A_903 = tpu.scan <sum>, %add3A_897 masked %reduce_sum3A_902 : vector<16xf32>, vector<16xi1> -> vector<16xf32>
      %reduce_sum3A_904 = vector.extract %reduce_sum3A_903[15] : f32 from vector<16xf32>
      %jit3A_905 = arith.constant 0.000000e+00 : f32
      %broadcast_in_dim3A_906 = vector.broadcast %reduce_sum3A_904 : f32 to vector<16xf32>
      %broadcast_in_dim3A_907 = vector.broadcast %jit3A_905 : f32 to vector<16xf32>
      %select_n3A_908 = arith.select %eq3A_900, %broadcast_in_dim3A_906, %broadcast_in_dim3A_907 : vector<16xi1>, vector<16xf32>
      %add3A_909 = arith.addf %add3A_864, %select_n3A_908 : vector<16xf32>
      %add3A_910 = arith.constant 15 : i32
      %add3A_911 = arith.addi %mul3A_233, %add3A_910 : i32
      %get3A_912 = arith.index_cast %add3A_911 : i32 to index
      %get3A_913 = arith.constant 0 : index
      %get3A_914 = tpu.vector_load %arg12[%get3A_912, %get3A_913] {strides = array<i32>} : memref<512x64xf32, #tpu.memory_space<vmem>>, vector<16xf32>,
      %get3A_915 = arith.index_cast %add3A_911 : i32 to index
      %get3A_916 = arith.constant 0 : index
      %get3A_917 = tpu.vector_load %arg13[%get3A_915, %get3A_916] {strides = array<i32>} : memref<512x64xf32, #tpu.memory_space<vmem>>, vector<16xf32>,
      %mul3A_918 = arith.mulf %get3A_914, %get3A_917 : vector<16xf32>
      %get3A_919 = arith.index_cast %add3A_911 : i32 to index
      %get3A_920 = arith.constant 16 : index
      %get3A_921 = tpu.vector_load %arg12[%get3A_919, %get3A_920] {strides = array<i32>} : memref<512x64xf32, #tpu.memory_space<vmem>>, vector<16xf32>,
      %get3A_922 = arith.index_cast %add3A_911 : i32 to index
      %get3A_923 = arith.constant 16 : index
      %get3A_924 = tpu.vector_load %arg13[%get3A_922, %get3A_923] {strides = array<i32>} : memref<512x64xf32, #tpu.memory_space<vmem>>, vector<16xf32>,
      %mul3A_925 = arith.mulf %get3A_921, %get3A_924 : vector<16xf32>
      %add3A_926 = arith.addf %mul3A_918, %mul3A_925 : vector<16xf32>
      %get3A_927 = arith.index_cast %add3A_911 : i32 to index
      %get3A_928 = arith.constant 32 : index
      %get3A_929 = tpu.vector_load %arg12[%get3A_927, %get3A_928] {strides = array<i32>} : memref<512x64xf32, #tpu.memory_space<vmem>>, vector<16xf32>,
      %get3A_930 = arith.index_cast %add3A_911 : i32 to index
      %get3A_931 = arith.constant 32 : index
      %get3A_932 = tpu.vector_load %arg13[%get3A_930, %get3A_931] {strides = array<i32>} : memref<512x64xf32, #tpu.memory_space<vmem>>, vector<16xf32>,
      %mul3A_933 = arith.mulf %get3A_929, %get3A_932 : vector<16xf32>
      %add3A_934 = arith.addf %add3A_926, %mul3A_933 : vector<16xf32>
      %get3A_935 = arith.index_cast %add3A_911 : i32 to index
      %get3A_936 = arith.constant 48 : index
      %get3A_937 = tpu.vector_load %arg12[%get3A_935, %get3A_936] {strides = array<i32>} : memref<512x64xf32, #tpu.memory_space<vmem>>, vector<16xf32>,
      %get3A_938 = arith.index_cast %add3A_911 : i32 to index
      %get3A_939 = arith.constant 48 : index
      %get3A_940 = tpu.vector_load %arg13[%get3A_938, %get3A_939] {strides = array<i32>} : memref<512x64xf32, #tpu.memory_space<vmem>>, vector<16xf32>,
      %mul3A_941 = arith.mulf %get3A_937, %get3A_940 : vector<16xf32>
      %add3A_942 = arith.addf %add3A_934, %mul3A_941 : vector<16xf32>
      %eq3A_943 = arith.constant 15 : i32
      %eq3A_944 = vector.broadcast %eq3A_943 : i32 to vector<16xi32>
      %eq3A_945 = arith.cmpi eq, %iota3A, %eq3A_944 : vector<16xi32>
      %reduce_sum3A_946 = arith.constant true
      %reduce_sum3A_947 = vector.broadcast %reduce_sum3A_946 : i1 to vector<16xi1>
      %reduce_sum3A_948 = tpu.scan <sum>, %add3A_942 masked %reduce_sum3A_947 : vector<16xf32>, vector<16xi1> -> vector<16xf32>
      %reduce_sum3A_949 = vector.extract %reduce_sum3A_948[15] : f32 from vector<16xf32>
      %jit3A_950 = arith.constant 0.000000e+00 : f32
      %broadcast_in_dim3A_951 = vector.broadcast %reduce_sum3A_949 : f32 to vector<16xf32>
      %broadcast_in_dim3A_952 = vector.broadcast %jit3A_950 : f32 to vector<16xf32>
      %select_n3A_953 = arith.select %eq3A_945, %broadcast_in_dim3A_951, %broadcast_in_dim3A_952 : vector<16xi1>, vector<16xf32>
      %add3A_954 = arith.addf %add3A_909, %select_n3A_953 : vector<16xf32>
      %swap3A = arith.index_cast %mul3A_233 : i32 to index
      %swap3A_955 = tpu.vector_load %arg16[%swap3A] {strides = array<i32>} : memref<512xf32, #tpu.memory_space<vmem>>, vector<16xf32>,
      tpu.vector_store %arg16[%swap3A], %add3A_954 {strides = array<i32>} : memref<512xf32, #tpu.memory_space<vmem>>, vector<16xf32>,
    }
    %scan3A_230 = arith.constant 32 : i32
    "tpu.region"() ({
      %run_scoped3A = tpu.sem_alloc : memref<!tpu.dma_semaphore, #tpu.memory_space<semaphore_mem>>
      %dma_start3A_231 = tpu.memref_slice %arg9[%mul3A_2] : memref<16384xf32, #tpu.memory_space<hbm>> -> memref<512xf32, #tpu.memory_space<hbm>>
      %dma_start3A_232 = tpu.memref_slice %arg9[%mul3A_2] : memref<16384xf32, #tpu.memory_space<hbm>> -> memref<512xf32, #tpu.memory_space<hbm>>
      tpu.enqueue_dma source(%arg16 : memref<512xf32, #tpu.memory_space<vmem>>) target(%dma_start3A_232 : memref<512xf32, #tpu.memory_space<hbm>>) target_semaphore(%run_scoped3A : memref<!tpu.dma_semaphore, #tpu.memory_space<semaphore_mem>>)
      %dma_wait3A_233 = tpu.memref_slice %arg9[%mul3A_2] : memref<16384xf32, #tpu.memory_space<hbm>> -> memref<512xf32, #tpu.memory_space<hbm>>
      %dma_wait3A_234 = tpu.memref_slice %arg9[%mul3A_2] : memref<16384xf32, #tpu.memory_space<hbm>> -> memref<512xf32, #tpu.memory_space<hbm>>
      tpu.wait_dma2 semaphore(%run_scoped3A : memref<!tpu.dma_semaphore, #tpu.memory_space<semaphore_mem>>) src(%arg16 : memref<512xf32, #tpu.memory_space<vmem>>) dst(%dma_wait3A_234 : memref<512xf32, #tpu.memory_space<hbm>>)
      tpu.yield
    }) : () -> ()
    return
  }
}

</mosaic_0001>

<sc_bundles>
// kernel: kernel.3.cloned.1.call-start
scs
__scs_entry_jumppad:
0x0: {  	(pc) =	sbr.rel $0x88, $3  }
0x1: {  	(tag) =	ssettag $0x0;
	lr =	simm.s32 $0x1  }
0x2: {  	[smem:$0x3F9A] =	sst lr;
	_ =	strace $0xD0000000  }
0x3: {  	_ = 	snop  }
0x4: {  	_ = 	snop  }
0x5: {  	_ = 	snop  }
0x6: {  	_ = 	snop  }
0x7: {  	_ = 	snop  }
__scs_overlays_trampoline_lowered:
0x8: {  	[smem:$0x3FA9] =	sst s0  }
0x9: {  	[smem:$0x3FAA] =	sst s1  }
0xa: {  	[smem:$0x3FAB] =	sst s2  }
0xb: {  	[smem:$0x3FAC] =	sst s3  }
0xc: {  	[smem:$0x3FAD] =	sst s4  }
0xd: {  	[smem:$0x3FAE] =	sst s5  }
0xe: {  	[smem:$0x3FAF] =	sst s6  }
0xf: {  	[smem:$0x3FB0] =	sst s7  }
0x10: {  	[smem:$0x3FB1] =	sst s8  }
0x11: {  	[smem:$0x3FB2] =	sst s9;
	s0 =	simm.s32 @!p0 $0x0  }
0x12: {  	s1 =	sld [smem:$0x3F98];
	s0 =	simm.s32 @p0 $0x1  }
0x13: {  	[smem:$0x3FB3] =	sst s0;
	s0 =	simm.s32 @!p1 $0x0  }
0x14: {  	s2 =	sld [smem:$0x3F97];
	s0 =	simm.s32 @p1 $0x1  }
0x15: {  	[smem:$0x3FB4] =	sst s0;
	s0 =	simm.s32 @!p2 $0x0  }
0x16: {  	s3 =	sld [smem:$0x3FDB];
	s0 =	simm.s32 @p2 $0x1  }
0x17: {  	s4 =	simm.s32 $0x1BF5;
	[smem:$0x3FB6] =	sst s0  }
0x18: {  	s0 =	sld [smem:$0x3F99];
	_ =	swait.ge [sflag:s4], $0x0  }
0x19: {  	s7 =	sld [smem:$0x3F9A]  }
0x1a: {  	s8 =	sadd.s32 $0xFFFFE003, lr  }
0x1b: {  	s9 =	sadd.s32 $0xFFFFFEF7, lr;
	s5 =	simm.s32 $0xFFFFFFFF;
	p2 =	slt.u32 s8, $0xFFFFF086  }
0x1c: {  	p1 =	slt.u32 s9, $0xF7A;
	s5 =	simm.s32 @!p2 $0x0  }
0x1d: {  	s5 =	simm.s32 @p1 $0x1;
	p0 =	seq.s32 s7, s2  }
0x1e: {  	s7 =	smul.u32 @!p0 $0xF7A, s2;
	p2 =	seq.s32 @!p0 s5, $0x0  }
0x1f: {  	s9 =	smul.u32 $0xF7A, s1;
	s8 =	simm.s32 @!p0 $0x1BF5;
	p2 =	por !p2, p0  }
0x20: {  	[sflag:s8] =	ssyncset.s32 @!p0 $0xFFFFF086;
	s6 =	sadd.s32 @!p0 s3, s7;
	s7 =	simm.s32 @!p0 $0x108  }
0x21: {  	s3 =	sadd.s32 s3, s9;
	s6 =	sadd.s32 @!p0 $0x88, s6;
	s7 =	simm.s32 @p2 $0x1082  }
0x22: {  	[simem:s7], [sflag:s8] =	dma.local @!p0 [hbm:s6], $0xF7A  }
0x23: {  	s9 =	sor.u32 $0xD0000000, s2;
	s6 =	simm.s32 $0x108;
	_ =	swait.ge @!p0 [sflag:s8], $0x0  }
0x24: {  	s3 =	sadd.s32 $0x88, s3;
	s6 =	simm.s32 @!p1 $0x1082;
	[sflag:s4] =	ssyncset.s32 $0xFFFFF086  }
0x25: {  	[simem:s6], [sflag:s4] =	dma.local [hbm:s3], $0xF7A  }
0x26: {  	[smem:$0x3F9A] =	sst s1;
	(tag) =	ssettag s2;
	_ =	strace s9  }
0x27: {  	s1 =	sld [smem:$0x3FAA]  }
0x28: {  	s2 =	sld [smem:$0x3FAB]  }
0x29: {  	s4 =	sld [smem:$0x3FAD]  }
0x2a: {  	p0 =	seq.s32 s5, $0x0;
	s5 =	sld [smem:$0x3FAE]  }
0x2b: {  	s6 =	sld [smem:$0x3FAF]  }
0x2c: {  	s7 =	sld [smem:$0x3FB0]  }
0x2d: {  	s3 =	simm.s32 $0x108;
	s8 =	sld [smem:$0x3FB1]  }
0x2e: {  	s3 =	simm.s32 @!p0 $0x1082;
	s9 =	sld [smem:$0x3FB2]  }
0x2f: {  	lr =	sadd.s32 s0, s3;
	s0 =	sld [smem:$0x3FA9]  }
0x30: {  	s3 =	sld [smem:$0x3FAC]  }
0x31: {  	[smem:$0x3FB5] =	sst s10  }
0x32: {  	s10 =	sld [smem:$0x3FB3];
	_ =	sdelay $0x3  }
0x33: {  	p0 =	seq.s32 s10, $0x1;
	s10 =	sld [smem:$0x3FB5];
	_ =	sdelay $0x3  }
0x34: {  	[smem:$0x3FB5] =	sst s10  }
0x35: {  	s10 =	sld [smem:$0x3FB4];
	_ =	sdelay $0x3  }
0x36: {  	p1 =	seq.s32 s10, $0x1;
	s10 =	sld [smem:$0x3FB5];
	_ =	sdelay $0x3  }
0x37: {  	[smem:$0x3FB5] =	sst s10  }
0x38: {  	s10 =	sld [smem:$0x3FB6]  }
0x39: {  	_ = 	snop;
	(pc) =	sbr.ind lr, $3  }
0x3a: {  	_ = 	snop  }
0x3b: {  	_ = 	snop  }
0x3c: {  	p2 =	seq.s32 s10, $0x1;
	s10 =	sld [smem:$0x3FB5]  }
0x3d: {  	_ =	shalt  }
0x3e: {  	_ =	shalt  }
0x3f: {  	_ =	shalt  }
0x40: {  	_ =	shalt  }
0x41: {  	_ =	shalt  }
0x42: {  	_ =	shalt  }
0x43: {  	_ =	shalt  }
0x44: {  	_ =	shalt  }
0x45: {  	_ =	shalt  }
0x46: {  	_ =	shalt  }
0x47: {  	_ =	shalt  }
0x48: {  	_ =	shalt  }
0x49: {  	_ =	shalt  }
0x4a: {  	_ =	shalt  }
0x4b: {  	_ =	shalt  }
0x4c: {  	_ =	shalt  }
0x4d: {  	_ =	shalt  }
0x4e: {  	_ =	shalt  }
0x4f: {  	_ =	shalt  }
0x50: {  	_ =	shalt  }
0x51: {  	_ =	shalt  }
0x52: {  	_ =	shalt  }
0x53: {  	_ =	shalt  }
0x54: {  	_ =	shalt  }
0x55: {  	_ =	shalt  }
0x56: {  	_ =	shalt  }
0x57: {  	_ =	shalt  }
0x58: {  	_ =	shalt  }
0x59: {  	_ =	shalt  }
0x5a: {  	_ =	shalt  }
0x5b: {  	_ =	shalt  }
0x5c: {  	_ =	shalt  }
0x5d: {  	_ =	shalt  }
0x5e: {  	_ =	shalt  }
0x5f: {  	_ =	shalt  }
0x60: {  	_ =	shalt  }
0x61: {  	_ =	shalt  }
0x62: {  	_ =	shalt  }
0x63: {  	_ =	shalt  }
0x64: {  	_ =	shalt  }
0x65: {  	_ =	shalt  }
0x66: {  	_ =	shalt  }
0x67: {  	_ =	shalt  }
0x68: {  	_ =	shalt  }
0x69: {  	_ =	shalt  }
0x6a: {  	_ =	shalt  }
0x6b: {  	_ =	shalt  }
0x6c: {  	_ =	shalt  }
0x6d: {  	_ =	shalt  }
0x6e: {  	_ =	shalt  }
0x6f: {  	_ =	shalt  }
0x70: {  	_ =	shalt  }
0x71: {  	_ =	shalt  }
0x72: {  	_ =	shalt  }
0x73: {  	_ =	shalt  }
0x74: {  	_ =	shalt  }
0x75: {  	_ =	shalt  }
0x76: {  	_ =	shalt  }
0x77: {  	_ =	shalt  }
0x78: {  	_ =	shalt  }
0x79: {  	_ =	shalt  }
0x7a: {  	_ =	shalt  }
0x7b: {  	_ =	shalt  }
0x7c: {  	_ =	shalt  }
0x7d: {  	_ =	shalt  }
0x7e: {  	_ =	shalt  }
0x7f: {  	_ =	shalt  }
0x80: {  	_ =	shalt  }
0x81: {  	_ =	shalt  }
0x82: {  	_ =	shalt  }
0x83: {  	_ =	shalt  }
0x84: {  	_ =	shalt  }
0x85: {  	_ =	shalt  }
0x86: {  	_ =	shalt  }
0x87: {  	_ =	shalt  }
.Lfunc_end0:
.L_simem_size_0:
called_computation_lowered:
.L_overlay_start_0:
0x88: {  	s2 =	sld [smem:$0x3FD9]  }
0x89: {  	s3 =	sld [smem:$0x3FFE];
	_ =	sdelay $0x1  }
0x8a: {  	s1 =	srdreg.scid  }
0x8b: {  	s0 =	sand.u32 $0x1, s1  }
0x8c: {  	s17 =	sshll.u32 s0, $0xA;
	s2 =	sadd.s32 s3, s2  }
0x8d: {  	s2 =	sadd.s32 s2, s17  }
0x8e: {  	[smem:$0x3FC1] =	sst s2  }
0x8f: {  	_ = 	snop  }
0x90: {  	s2 =	sld [smem:$0x3FC9]  }
0x91: {  	s18 =	sld [smem:$0x3FC8]  }
0x92: {  	s4 =	sld [smem:$0x3FD0];
	(tm) =	ssettm $0x1  }
0x93: {  	s5 =	sld [smem:$0x3FFB];
	_ =	sdelay $0x3  }
0x94: {  	_ =	strace s5  }
0x95: {  	s5 =	sld [smem:$0x3FFC];
	_ =	sdelay $0x3  }
0x96: {  	_ =	strace s5  }
0x97: {  	s5 =	sld [smem:$0x3FFD];
	_ =	sdelay $0x3  }
0x98: {  	_ =	strace s5  }
0x99: {  	_ =	strace $0x8FFFFFFF  }
0x9a: {  	s19 =	sld [smem:$0x3FDB];
	_ =	sdelay $0x1  }
0x9b: {  	s6 =	simm.s32 $_scs_section_size  }
0x9c: {  	s7 =	simm.s32 $_size__tile_overlayer_lowered;
	s8 =	simm.s32 $_tile_overlayer_lowered  }
0x9d: {  	s22 =	simm.s32 $0x1BFF;
	s21 =	sshll.u32 s8, $0x1;
	s5 =	sadd.s32 s6, s19  }
0x9e: {  	s9 =	simm.s32 $0x0;
	s20 =	sshll.u32 s7, $0x1;
	s7 =	sadd.s32 s21, s5  }
0x9f: {  	[timem:s9], [sflag:s22] =	dma.local [hbm:s7], s20  }
0xa0: {  	_ =	swait.ge [sflag:s22], s20  }
0xa1: {  	s6 =	ssub.s32 $0x0, s20;
	[sflag:s22] =	ssyncset.done $0x0  }
0xa2: {  	[sflag:s22] =	ssyncadd.s32 s6;
	_ =	sdelay $0x1  }
0xa3: {  	s23 =	simm.s32 $0x1B8B  }
0xa4: {  	_ =	swait.ge [sflag:s23], $0x1  }
0xa5: {  	[sflag:s23] =	ssyncset.done $0x0  }
0xa6: {  	s25 =	simm.s32 $0x1B8E;
	s24 =	sld [smem:$0x3FFE];
	[sflag:s23] =	ssyncadd.s32 $0xFFFFFFFF  }
0xa7: {  	s26 =	simm.s32 $execute0_lowered;
	[smem:$0x3FD2] =	sst s25  }
0xa8: {  	s7 =	sshll.u32 s26, $0x1;
	_ =	strace $0x80000046;
	[dreg:$0x1] =	wrdreg $0xFFFFFFFF  }
0xa9: {  	s28 =	simm.s32 $_size_execute0_lowered;
	s5 =	sadd.s32 s5, s7;
	[dreg:$0x0] =	wrdreg $0x0  }
0xaa: {  	s7 =	sshll.u32 s28, $0x1;
	[dreg:$0x2] =	wrdreg s5  }
0xab: {  	[dreg:$0x3] =	wrdreg s7  }
0xac: {  	[dreg:$0x4] =	wrdreg $0xC0  }
0xad: {  	_ =	task [dreg:s9], $0x5FFFF  }
0xae: {  	[dreg:$0x1] =	wrdreg $0xFFFFFFFF  }
0xaf: {  	[dreg:$0x0] =	wrdreg $0x60  }
0xb0: {  	[dreg:$0x2] =	wrdreg s2  }
0xb1: {  	[dreg:$0x3] =	wrdreg s18  }
0xb2: {  	[dreg:$0x4] =	wrdreg s24  }
0xb3: {  	[dreg:$0x5] =	wrdreg s4  }
0xb4: {  	[dreg:$0x6] =	wrdreg $0x9  }
0xb5: {  	_ =	task.clear_ibuf [dreg:s9], $0x7FFFF;
	_ =	strace $0x90000046  }
0xb6: {  	s29 =	simm.s32 $0x9;
	_ =	strace $0x80000048  }
0xb7: {  	_ =	swait.ge [sflag:s29], $0x1  }
0xb8: {  	[sflag:s29] =	ssyncadd.s32 $0xFFFFFFFF  }
0xb9: {  	_ =	strace $0x90000048  }
0xba: {  	_ =	sfence  }
0xbb: {  	s30 =	sld [smem:$0x0];
	_ =	sdelay $0x2  }
0xbc: {  	s31 =	sshll.u32 s1, $0xD;
	s1 =	sshrl.u32 s1, $0x2  }
0xbd: {  	s3 =	sand.u32 $0x4000, s31;
	s1 =	sadd.s32 s1, s30  }
0xbe: {  	s0 =	sor.u32 s3, s0;
	s1 =	sshll.u32 s1, $0x11  }
0xbf: {  	s0 =	sor.u32 s1, s0  }
0xc0: {  	s0 =	sadd.s32 $0x8F2B, s0  }
0xc1: {  	[sflag:s0] =	ssyncadd.remote.s32 $0x1  }
0xc2: {  	_ =	sfence.sel $0xFFFF  }
0xc3: {  	[dreg:$0x0] =	wrdreg $0xFFFFFFFF;
	(pc) =	sbr.abs _section_cstart, $3  }
0xc4: {  	[dreg:$0x1] =	wrdreg $0xFFFFFFFF  }
0xc5: {  	_ =	task.clear_ibuf [dreg:s9], $0x2FFFF;
	_ =	strace $0x9FFFFFFF  }
0xc6: {  	(tm) =	ssettm $0x7FFFFFFF  }
0xc7: {  	_ =	shalt  }
tec
execute0_lowered:
.L_overlay_start_1:
0x0: {  	(tag) =	ssettag $0x1  }
0x1: {  	s0 =	rddreg [dreg:$0x0]  }
0x2: {  	s3 =	rddreg [dreg:$0x1]  }
0x3: {  	s7 =	rddreg [dreg:$0x2]  }
0x4: {  	s10 =	rddreg [dreg:$0x3];
	s1 =	simm.s32 $0x0  }
0x5: {  	s8 =	srdreg.scid;
	s11 =	stileid.u32;
	s13 =	simm.s32 $0x2  }
0x6: {  	s14 =	simm.s32 $0x200;
	s15 =	simm.s32 $0x80;
	s21 =	simm.s32 $0x280  }
0x7: {  	s25 =	simm.s32 $0x100;
	s28 =	simm.s32 $0x300;
	s31 =	simm.s32 $0x10700  }
0x8: {  	s16 =	simm.s32 $0xE400;
	s17 =	simm.s32 $0x10580;
	s18 =	simm.s32 $0x10780  }
0x9: {  	s19 =	simm.s32 $0x1;
	s20 =	simm.s32 $0x10800;
	[smem:$0x7FF] =	sst s1  }
0xa: {  	s22 =	simm.s32 $0x0;
	s2 =	sadd.s32 $0x24BA00, s7;
	s4 =	sadd.s32 $0x188400, s7  }
0xb: {  	vm0 =	vmmov $0x1;
	s5 =	sadd.s32 $0x4C00, s7;
	s6 =	sadd.s32 $0x1A00, s7;
	s8 =	sand.u32 $0x1, s8  }
0xc: {  	vm1 =	vcmask $0x704;
	vm2 =	vcmask $0xB08;
	vm3 =	vcmask $0xF0C;
	s11 =	sshll.u32 s11, $0x7;
	s9 =	ssub.s32 $0x2, s8;
	s8 =	sshll.u32 s8, $0x6  }
0xd: {  	vm4 =	vcmask $0x1310;
	vm5 =	vcmask $0x1714;
	vm6 =	vcmask $0x1B18;
	s7 =	sadd.s32 $0x7E00, s7;
	s12 =	sshrl.u32 s9, $0x1;
	s11 =	sor.u32 s8, s11  }
0xe: {  	vm7 =	vcmask $0x1F1C;
	vm8 =	vcmask $0x2320;
	vm9 =	vcmask $0x2724;
	_ =	strace $0x80000047;
	s12 =	ssub.s32 s9, s12;
	s8 =	sadd.s32 s0, s11  }
0xf: {  	vm10 =	vcmask $0x2B28;
	vm11 =	vcmask $0x2F2C;
	vm12 =	vcmask $0x3330;
	s9 =	sadd.s32 s3, s11;
	s10 =	sadd.s32 s10, s11;
	s0 =	simm.s32 $0x180  }
0x10: {  	vm13 =	vcmask $0x3734;
	vm14 =	vcmask $0x3B38;
	vm15 =	vmmov $0x7fff;
	s3 =	simm.s32 $0x6400;
	s11 =	smax.u32 s12, $0x1;
	s12 =	simm.s32 $0x380  }
.LBB2_1:
0x11: {  	s23 =	simm.s32 $0x10A00  }
0x12: {  	[tilespmem:s23], [sflag:$0x2] =	stream.linear.gather [hbm4b:s7+s1], $0x10, $0x38;
	[tilespmem:$0x10A10] =	vst v63  }
0x13: {  	_ =	swait.ge [sflag:s13], $0x10  }
0x14: {  	[sflag:s13] =	ssyncset.done $0x0  }
0x15: {  	[sflag:s13] =	ssyncadd.s32 $0xFFFFFFF0  }
0x16: {  	[tilespmem:s1], [sflag:$0x2] =	stream.linear.gather [hbm4b:s8+s1], $0x200, $0x38;
	[tilespmem:$0x10A10] =	vst v63  }
0x17: {  	_ =	swait.ge [sflag:s13], $0x200  }
0x18: {  	[sflag:s13] =	ssyncset.done $0x0  }
0x19: {  	[sflag:s13] =	ssyncadd.s32 $0xFFFFFE00  }
0x1a: {  	[tilespmem:s14], [sflag:$0x2] =	stream.linear.gather [hbm4b:s9+s1], $0x200, $0x38;
	[tilespmem:$0x10A10] =	vst v63  }
0x1b: {  	_ =	swait.ge [sflag:s13], $0x200  }
0x1c: {  	[sflag:s13] =	ssyncset.done $0x0  }
0x1d: {  	s26 =	simm.s32 $0x400;
	[sflag:s13] =	ssyncadd.s32 $0xFFFFFE00  }
0x1e: {  	[tilespmem:s26], [sflag:$0x1] =	stream.indirect.gather [hbm4b:s2+s15], $0x40, s1, s15, $0xb8;
	[tilespmem:$0x10A10] =	vst v63  }
0x1f: {  	s30 =	simm.s32 $0x8400  }
0x20: {  	[tilespmem:s30], [sflag:$0x1] =	stream.indirect.gather [hbm4b:s4+s15], $0x40, s14, s15, $0xb8;
	[tilespmem:$0x10A10] =	vst v63  }
0x21: {  	s24 =	simm.s32 $0x10400  }
0x22: {  	[tilespmem:s24], [sflag:$0x1] =	stream.indirect.gather [hbm4b:s5+s15], $0x1, s1, s15, $0xb8;
	[tilespmem:$0x10A10] =	vst v63  }
0x23: {  	s26 =	simm.s32 $0x10600  }
0x24: {  	[tilespmem:s26], [sflag:$0x1] =	stream.indirect.gather [hbm4b:s6+s15], $0x1, s14, s15, $0xb8;
	[tilespmem:$0x10A10] =	vst v63  }
0x25: {  	s30 =	simm.s32 $0x2400  }
0x26: {  	[tilespmem:s30], [sflag:$0x1] =	stream.indirect.gather [hbm4b:s2+s15], $0x40, s15, s15, $0xb8;
	[tilespmem:$0x10A10] =	vst v63  }
0x27: {  	s24 =	simm.s32 $0xA400  }
0x28: {  	[tilespmem:s24], [sflag:$0x1] =	stream.indirect.gather [hbm4b:s4+s15], $0x40, s21, s15, $0xb8;
	[tilespmem:$0x10A10] =	vst v63  }
0x29: {  	s26 =	simm.s32 $0x10480  }
0x2a: {  	[tilespmem:s26], [sflag:$0x1] =	stream.indirect.gather [hbm4b:s5+s15], $0x1, s15, s15, $0xb8;
	[tilespmem:$0x10A10] =	vst v63  }
0x2b: {  	s30 =	simm.s32 $0x10680  }
0x2c: {  	[tilespmem:s30], [sflag:$0x1] =	stream.indirect.gather [hbm4b:s6+s15], $0x1, s21, s15, $0xb8;
	[tilespmem:$0x10A10] =	vst v63  }
0x2d: {  	s24 =	simm.s32 $0x4400  }
0x2e: {  	[tilespmem:s24], [sflag:$0x1] =	stream.indirect.gather [hbm4b:s2+s15], $0x40, s25, s15, $0xb8;
	[tilespmem:$0x10A10] =	vst v63  }
0x2f: {  	s26 =	simm.s32 $0xC400  }
0x30: {  	[tilespmem:s26], [sflag:$0x1] =	stream.indirect.gather [hbm4b:s4+s15], $0x40, s28, s15, $0xb8;
	[tilespmem:$0x10A10] =	vst v63  }
0x31: {  	s30 =	simm.s32 $0x10500  }
0x32: {  	[tilespmem:s30], [sflag:$0x1] =	stream.indirect.gather [hbm4b:s5+s15], $0x1, s25, s15, $0xb8;
	[tilespmem:$0x10A10] =	vst v63  }
0x33: {  	_ = 	snop  }
0x34: {  	[tilespmem:s31], [sflag:$0x1] =	stream.indirect.gather [hbm4b:s6+s15], $0x1, s28, s15, $0xb8;
	[tilespmem:$0x10A10] =	vst v63  }
0x35: {  	_ = 	snop  }
0x36: {  	[tilespmem:s3], [sflag:$0x1] =	stream.indirect.gather [hbm4b:s2+s15], $0x40, s0, s15, $0xb8;
	[tilespmem:$0x10A10] =	vst v63  }
0x37: {  	_ = 	snop  }
0x38: {  	[tilespmem:s16], [sflag:$0x1] =	stream.indirect.gather [hbm4b:s4+s15], $0x40, s12, s15, $0xb8;
	[tilespmem:$0x10A10] =	vst v63  }
0x39: {  	_ = 	snop  }
0x3a: {  	[tilespmem:s17], [sflag:$0x1] =	stream.indirect.gather [hbm4b:s5+s15], $0x1, s0, s15, $0xb8;
	[tilespmem:$0x10A10] =	vst v63  }
0x3b: {  	_ = 	snop  }
0x3c: {  	[tilespmem:s18], [sflag:$0x1] =	stream.indirect.gather [hbm4b:s6+s15], $0x1, s12, s15, $0xb8;
	[tilespmem:$0x10A10] =	vst v63  }
0x3d: {  	_ =	swait.ge [sflag:s19], $0x2000  }
0x3e: {  	[sflag:s19] =	ssyncset.done $0x0  }
0x3f: {  	[sflag:s19] =	ssyncadd.s32 $0xFFFFE000  }
0x40: {  	_ =	swait.ge [sflag:s19], $0x2000  }
0x41: {  	[sflag:s19] =	ssyncset.done $0x0  }
0x42: {  	[sflag:s19] =	ssyncadd.s32 $0xFFFFE000  }
0x43: {  	_ =	swait.ge [sflag:s19], $0x80  }
0x44: {  	[sflag:s19] =	ssyncset.done $0x0  }
0x45: {  	[sflag:s19] =	ssyncadd.s32 $0xFFFFFF80  }
0x46: {  	_ =	swait.ge [sflag:s19], $0x80  }
0x47: {  	[sflag:s19] =	ssyncset.done $0x0  }
0x48: {  	[sflag:s19] =	ssyncadd.s32 $0xFFFFFF80  }
0x49: {  	_ =	swait.ge [sflag:s19], $0x2000  }
0x4a: {  	[sflag:s19] =	ssyncset.done $0x0  }
0x4b: {  	[sflag:s19] =	ssyncadd.s32 $0xFFFFE000  }
0x4c: {  	_ =	swait.ge [sflag:s19], $0x2000  }
0x4d: {  	[sflag:s19] =	ssyncset.done $0x0  }
0x4e: {  	[sflag:s19] =	ssyncadd.s32 $0xFFFFE000  }
0x4f: {  	_ =	swait.ge [sflag:s19], $0x80  }
0x50: {  	[sflag:s19] =	ssyncset.done $0x0  }
0x51: {  	[sflag:s19] =	ssyncadd.s32 $0xFFFFFF80  }
0x52: {  	_ =	swait.ge [sflag:s19], $0x80  }
0x53: {  	[sflag:s19] =	ssyncset.done $0x0  }
0x54: {  	[sflag:s19] =	ssyncadd.s32 $0xFFFFFF80  }
0x55: {  	_ =	swait.ge [sflag:s19], $0x2000  }
0x56: {  	[sflag:s19] =	ssyncset.done $0x0  }
0x57: {  	[sflag:s19] =	ssyncadd.s32 $0xFFFFE000  }
0x58: {  	_ =	swait.ge [sflag:s19], $0x2000  }
0x59: {  	[sflag:s19] =	ssyncset.done $0x0  }
0x5a: {  	[sflag:s19] =	ssyncadd.s32 $0xFFFFE000  }
0x5b: {  	_ =	swait.ge [sflag:s19], $0x80  }
0x5c: {  	[sflag:s19] =	ssyncset.done $0x0  }
0x5d: {  	[sflag:s19] =	ssyncadd.s32 $0xFFFFFF80  }
0x5e: {  	_ =	swait.ge [sflag:s19], $0x80  }
0x5f: {  	[sflag:s19] =	ssyncset.done $0x0  }
0x60: {  	[sflag:s19] =	ssyncadd.s32 $0xFFFFFF80  }
0x61: {  	_ =	swait.ge [sflag:s19], $0x2000  }
0x62: {  	[sflag:s19] =	ssyncset.done $0x0  }
0x63: {  	[sflag:s19] =	ssyncadd.s32 $0xFFFFE000  }
0x64: {  	_ =	swait.ge [sflag:s19], $0x2000  }
0x65: {  	[sflag:s19] =	ssyncset.done $0x0  }
0x66: {  	[sflag:s19] =	ssyncadd.s32 $0xFFFFE000  }
0x67: {  	_ =	swait.ge [sflag:s19], $0x80  }
0x68: {  	[sflag:s19] =	ssyncset.done $0x0  }
0x69: {  	[sflag:s19] =	ssyncadd.s32 $0xFFFFFF80  }
0x6a: {  	_ =	swait.ge [sflag:s19], $0x80  }
0x6b: {  	[sflag:s19] =	ssyncset.done $0x0  }
0x6c: {  	[sflag:s19] =	ssyncadd.s32 $0xFFFFFF80  }
0x6d: {  	s23 =	simm.s32 $0x0;
	v0 =	vld [tilespmem:$0x10A00]  }
0x6e: {  	v55 =	vld [tilespmem:s23+$0x10400]  }
0x6f: {  	s26 =	simm.s32 $0x600;
	v56 =	vld [tilespmem:s23+$0x10600]  }
0x70: {  	v57 =	vld [tilespmem:s26+$0x1B0]  }
0x71: {  	s24 =	simm.s32 $0x8600;
	v58 =	vld [tilespmem:s26+$0x1C0]  }
0x72: {  	v59 =	vld [tilespmem:s24+$0x1C0]  }
0x73: {  	v60 =	vld [tilespmem:s26+$0x1D0]  }
0x74: {  	v3 =	vld [tilespmem:s26+$0x170]  }
0x75: {  	v4 =	vld [tilespmem:s24+$0x170]  }
0x76: {  	v61 =	vld [tilespmem:s26+$0x130]  }
0x77: {  	v11 =	vld [tilespmem:s26+$0x160]  }
0x78: {  	v13 =	vld [tilespmem:s24+$0x160]  }
0x79: {  	v62 =	vld [tilespmem:s26+$0x180]  }
0x7a: {  	v63 =	vld [tilespmem:s24+$0x180]  }
0x7b: {  	v5 =	vld [tilespmem:s26+$0x190]  }
0x7c: {  	v1 =	vld [tilespmem:s26+$0xF0]  }
0x7d: {  	v2 =	vld [tilespmem:s24+$0xF0]  }
0x7e: {  	v37 =	vld [tilespmem:s24+$0x140]  }
0x7f: {  	v36 =	vld [tilespmem:s24+$0x150]  }
0x80: {  	v6 =	vld [tilespmem:s26+$0xB0]  }
0x81: {  	v10 =	vld [tilespmem:s26+$0xE0]  }
0x82: {  	v12 =	vld [tilespmem:s24+$0xE0]  }
0x83: {  	v7 =	vld [tilespmem:s26+$0x100]  }
0x84: {  	v8 =	vld [tilespmem:s24+$0x100]  }
0x85: {  	v9 =	vld [tilespmem:s26+$0x110]  }
0x86: {  	v45 =	vld [tilespmem:s24+$0xC0]  }
0x87: {  	v48 =	vld [tilespmem:s26+$0xD0]  }
0x88: {  	v40 =	vld [tilespmem:s24+$0xD0]  }
0x89: {  	v15 =	vld [tilespmem:s26+$0x30]  }
0x8a: {  	v14 =	vld [tilespmem:s26+$0x60]  }
0x8b: {  	v17 =	vld [tilespmem:s26+$0x80]  }
0x8c: {  	v18 =	vld [tilespmem:s24+$0x80]  }
0x8d: {  	v16 =	vld [tilespmem:s26+$0x90]  }
0x8e: {  	v19 =	vld [tilespmem:s26+$0xFFFFFFB0]  }
0x8f: {  	v21 =	vld [tilespmem:s24+$0xFFFFFFB0]  }
0x90: {  	v20 =	vld [tilespmem:s26+$0x0]  }
0x91: {  	v22 =	vld [tilespmem:s24+$0x0]  }
0x92: {  	v52 =	vld [tilespmem:s26+$0xFFFFFFC0]  }
0x93: {  	v43 =	vld [tilespmem:s24+$0xFFFFFFC0]  }
0x94: {  	v42 =	vld [tilespmem:s26+$0xFFFFFFD0]  }
0x95: {  	v41 =	vld [tilespmem:s24+$0xFFFFFFD0]  }
0x96: {  	v23 =	vld [tilespmem:s26+$0xFFFFFF30]  }
0x97: {  	v24 =	vld [tilespmem:s24+$0xFFFFFF30]  }
0x98: {  	v25 =	vld [tilespmem:s26+$0xFFFFFF60]  }
0x99: {  	v26 =	vld [tilespmem:s24+$0xFFFFFF80]  }
0x9a: {  	v32 =	vld [tilespmem:s26+$0xFFFFFEF0]  }
0x9b: {  	v33 =	vld [tilespmem:s24+$0xFFFFFEF0]  }
0x9c: {  	v54 =	vld [tilespmem:s26+$0xFFFFFF40]  }
0x9d: {  	v49 =	vld [tilespmem:s24+$0xFFFFFF40]  }
0x9e: {  	v46 =	vld [tilespmem:s26+$0xFFFFFF50]  }
0x9f: {  	v44 =	vld [tilespmem:s24+$0xFFFFFF50]  }
0xa0: {  	v27 =	vld [tilespmem:s26+$0xFFFFFEB0]  }
0xa1: {  	v28 =	vld [tilespmem:s24+$0xFFFFFEB0]  }
0xa2: {  	v31 =	vld [tilespmem:s26+$0xFFFFFEE0]  }
0xa3: {  	v38 =	vld [tilespmem:s24+$0xFFFFFEE0]  }
0xa4: {  	v29 =	vld [tilespmem:s26+$0xFFFFFF00]  }
0xa5: {  	v30 =	vld [tilespmem:s24+$0xFFFFFF00]  }
0xa6: {  	v34 =	vld [tilespmem:s26+$0xFFFFFE70]  }
0xa7: {  	v35 =	vld [tilespmem:s24+$0xFFFFFE70]  }
0xa8: {  	v53 =	vld [tilespmem:s26+$0xFFFFFEC0]  }
0xa9: {  	v50 =	vld [tilespmem:s24+$0xFFFFFEC0]  }
0xaa: {  	v51 =	vld [tilespmem:s26+$0xFFFFFED0]  }
0xab: {  	v47 =	vld [tilespmem:s24+$0xFFFFFED0]  }
0xac: {  	[tilespmem:$0x1FF20] =	vst v58;
	v58 =	vld [tilespmem:s26+$0x140]  }
0xad: {  	[tilespmem:$0x1FF10] =	vst v57;
	v57 =	vld [tilespmem:s26+$0x150]  }
0xae: {  	[tilespmem:$0x1FEE0] =	vst v0;
	v0 =	vld [tilespmem:s26+$0x70]  }
0xaf: {  	[tilespmem:$0x1FF90] =	vst v6;
	v6 =	vld [tilespmem:s24+$0x70]  }
0xb0: {  	[tilespmem:$0x1FEF0] =	vst v55;
	v55 =	vld [tilespmem:s26+$0xC0]  }
0xb1: {  	[tilespmem:$0x1FF80] =	vst v5;
	v5 =	vld [tilespmem:s24+$0x60]  }
0xb2: {  	[tilespmem:$0x1FFA0] =	vst v7;
	v7 =	vld [tilespmem:s24+$0xFFFFFFF0]  }
0xb3: {  	[tilespmem:$0x1FF30] =	vst v59;
	v59 =	vld [tilespmem:s26+$0x40]  }
0xb4: {  	[tilespmem:$0x1FF40] =	vst v60;
	v60 =	vld [tilespmem:s24+$0x40]  }
0xb5: {  	[tilespmem:$0x1FF50] =	vst v61;
	v61 =	vld [tilespmem:s26+$0x50]  }
0xb6: {  	[tilespmem:$0x1FF60] =	vst v62;
	v62 =	vld [tilespmem:s24+$0x50]  }
0xb7: {  	[tilespmem:$0x1FFB0] =	vst v8;
	v8 =	vld [tilespmem:s26+$0xFFFFFFE0]  }
0xb8: {  	[tilespmem:$0x1FF00] =	vst v56;
	v56 =	vld [tilespmem:s24+$0xFFFFFFE0]  }
0xb9: {  	[tilespmem:$0x1FFC0] =	vst v9;
	v9 =	vld [tilespmem:s24+$0xFFFFFF70]  }
0xba: {  	[tilespmem:$0x1FF70] =	vst v63;
	v63 =	vld [tilespmem:s24+$0xFFFFFF60]  }
0xbb: {  	[tilespmem:$0x1FFF0] =	vst v25;
	v25 =	vld [tilespmem:s26+$0xFFFFFF80]  }
0xbc: {  	v40 =	vmul.f32 v40, v48;
	v48 =	vld [tilespmem:s24+$0xFFFFFE60]  }
0xbd: {  	v54 =	vmul.f32 v49, v54;
	v49 =	vld [tilespmem:s24+$0xFFFFFE50]  }
0xbe: {  	v46 =	vmul.f32 v44, v46;
	v44 =	vld [tilespmem:s24+$0xFFFFFE00]  }
0xbf: {  	[tilespmem:$0x1FFD0] =	vst v5;
	v5 =	vld [tilespmem:s26+$0xFFFFFFF0]  }
0xc0: {  	[tilespmem:$0x1FFE0] =	vst v8;
	v8 =	vld [tilespmem:s26+$0xFFFFFF70];
	v58 =	vmul.f32 v37, v58;
	v57 =	vmul.f32 v36, v57  }
0xc1: {  	v43 =	vmul.f32 v43, v52;
	v36 =	vld [tilespmem:s26+$0xFFFFFE30]  }
0xc2: {  	v57 =	vadd.f32 v57, v58;
	v58 =	vmul.f32 v60, v59;
	v59 =	vmul.f32 v62, v61;
	v62 =	vld [tilespmem:$0x1FFD0]  }
0xc3: {  	v37 =	vld [tilespmem:s24+$0xFFFFFE30];
	v60 =	vmul.f32 v4, v3;
	v4 =	vmul.f32 v41, v42  }
0xc4: {  	v55 =	vmul.f32 v45, v55;
	v45 =	vld [tilespmem:s26+$0xFFFFFE60]  }
0xc5: {  	v52 =	vadd.f32 v4, v43;
	v43 =	vld [tilespmem:$0x1FFE0]  }
0xc6: {  	v39 =	vmul.f32 v13, v11;
	v55 =	vadd.f32 v40, v55;
	v40 =	vld [tilespmem:s24+$0xFFFFFE80]  }
0xc7: {  	v11 =	vmul.f32 v12, v10;
	v3 =	vmul.f32 v62, v14;
	v62 =	vld [tilespmem:$0x1FFF0]  }
0xc8: {  	v10 =	vmul.f32 v2, v1;
	v41 =	vld [tilespmem:s26+$0xFFFFFE40];
	v57 =	vadd.f32 v39, v57;
	v58 =	vadd.f32 v59, v58  }
0xc9: {  	v42 =	vld [tilespmem:s24+$0xFFFFFE40];
	v61 =	vadd.f32 v46, v54;
	v55 =	vadd.f32 v11, v55;
	v11 =	vmul.f32 v6, v0  }
0xca: {  	v46 =	vld [tilespmem:s26+$0xFFFFFE00];
	v57 =	vadd.f32 v60, v57;
	v58 =	vadd.f32 v3, v58;
	v56 =	vmul.f32 v56, v43  }
0xcb: {  	v39 =	vld [tilespmem:s26+$0xFFFFFE80];
	v55 =	vadd.f32 v10, v55;
	v60 =	vmul.f32 v7, v5  }
0xcc: {  	(xrf2) =	vadd.scan.msk.f32 $0xffff, v57;
	v43 =	vld [tilespmem:s26+$0xFFFFFE50];
	v58 =	vadd.f32 v11, v58;
	v52 =	vadd.f32 v56, v52;
	v63 =	vmul.f32 v63, v62  }
0xcd: {  	v54 =	vmul.f32 v50, v53;
	(xrf2) =	vadd.scan.msk.f32 $0xffff, v55;
	v55 =	vmul.f32 v47, v51;
	v47 =	vld [tilespmem:s26+$0xFFFFFE10]  }
0xce: {  	s29 =	simm.s32 $0x40;
	v53 =	vmul.f32 v9, v8;
	v51 =	vld [tilespmem:s24+$0xFFFFFE10];
	(xrf2) =	vadd.scan.msk.f32 $0xffff, v58;
	v50 =	vadd.f32 v60, v52;
	v52 =	vadd.f32 v63, v61  }
.LBB2_2:
0xcf: {  	v56 =	vld [tilespmem:s26+$0xFFFFFE20]  }
0xd0: {  	v61 =	vld [tilespmem:s24+$0xFFFFFE20]  }
0xd1: {  	v4 =	vld [tilespmem:s26+$0xFFFFFE90]  }
0xd2: {  	v7 =	vld [tilespmem:s24+$0xFFFFFE90]  }
0xd3: {  	v10 =	vld [tilespmem:s26+$0xFFFFFEA0]  }
0xd4: {  	v57 =	vld [tilespmem:s26+$0xFFFFFF20]  }
0xd5: {  	v58 =	vld [tilespmem:s24+$0xFFFFFF20]  }
0xd6: {  	v60 =	vld [tilespmem:s26+$0xFFFFFF90]  }
0xd7: {  	v1 =	vld [tilespmem:$0x1FF30]  }
0xd8: {  	v14 =	vld [tilespmem:s26+$0x120]  }
0xd9: {  	v63 =	vadd.f32 v53, v52;
	v53 =	vld [tilespmem:s26+$0xFFFFFF10]  }
0xda: {  	(xrf2) =	vadd.scan.msk.f32 $0xffff, v50;
	v50 =	vld [tilespmem:$0x1FF50]  }
0xdb: {  	v6 =	vmul.f32 v48, v45;
	v48 =	vld [tilespmem:s24+$0xFFFFFEA0]  }
0xdc: {  	v27 =	vmul.f32 v28, v27;
	v28 =	vld [tilespmem:s24+$0xFFFFFF90]  }
0xdd: {  	v23 =	vmul.f32 v24, v23;
	v24 =	vld [tilespmem:s24+$0x10]  }
0xde: {  	v19 =	vmul.f32 v21, v19;
	v21 =	vld [tilespmem:s24+$0x30]  }
0xdf: {  	v41 =	vmul.f32 v42, v41;
	v36 =	vmul.f32 v37, v36;
	v37 =	vld [tilespmem:$0x1FEF0]  }
0xe0: {  	v62 =	vmul.f32 v49, v43;
	v39 =	vmul.f32 v40, v39;
	v40 =	vld [tilespmem:$0x1FF60]  }
0xe1: {  	v54 =	vadd.f32 v55, v54;
	v38 =	vmul.f32 v38, v31;
	v42 =	vld [tilespmem:$0x1FEE0]  }
0xe2: {  	v8 =	vmul.f32 v44, v46;
	v9 =	vmul.f32 v51, v47;
	v43 =	vld [tilespmem:$0x1FFA0];
	v5 =	vadd.f32 v62, v41  }
0xe3: {  	v0 =	vmul.f32 v33, v32;
	v34 =	vmul.f32 v35, v34;
	v44 =	vld [tilespmem:$0x1FFB0];
	v38 =	vadd.f32 v38, v54  }
0xe4: {  	v52 =	vmul.f32 v61, v56;
	v51 =	vadd.f32 v9, v8;
	v54 =	vld [tilespmem:s24+$0xFFFFFF10];
	v31, _, _ =	vpop (xrf2);
	(xrf2) =	vadd.scan.msk.f32 $0xffff, v63;
	v11 =	vadd.f32 v6, v5  }
0xe5: {  	v45 =	vld [tilespmem:$0x1FFC0];
	v38 =	vadd.f32 v0, v38  }
0xe6: {  	v46 =	vld [tilespmem:$0x1FF90];
	v56 =	vmul.f32 v7, v4;
	v55 =	vadd.f32 v52, v51;
	v0 =	vadd.f32 v34, v11  }
0xe7: {  	v47 =	vld [tilespmem:s26+$0x1A0];
	v32, _, _ =	vpop (xrf2);
	(xrf2) =	vadd.scan.msk.f32 $0xffff, v38  }
0xe8: {  	v49 =	vld [tilespmem:$0x1FF80];
	v59 =	vadd.f32 v56, v39;
	v33, _, _ =	vpop (xrf2);
	v35 =	vmul.f32 v48, v10;
	v36 =	vadd.f32 v36, v55;
	(xrf2) =	vadd.scan.msk.f32 $0xffff, v0  }
0xe9: {  	v29 =	vmul.f32 v30, v29;
	v61 =	vld [tilespmem:s26+$0xFFFFFFA0];
	v30 =	vmul.f32 v54, v53  }
0xea: {  	v7 =	vld [tilespmem:s26+$0x10];
	v34, _, _ =	vpop (xrf2);
	v35 =	vadd.f32 v35, v59;
	(xrf2) =	vadd.scan.msk.f32 $0xffff, v36  }
0xeb: {  	v62 =	vld [tilespmem:s24+$0xFFFFFFA0];
	v29 =	vadd.f32 v30, v29;
	v30 =	vmul.f32 v58, v57  }
0xec: {  	v39 =	vld [tilespmem:$0x1FF00];
	v0 =	vadd.f32 v27, v35  }
0xed: {  	v25 =	vmul.f32 v26, v25;
	v26 =	vmul.f32 v28, v60;
	v28 =	vld [tilespmem:s26+$0x20];
	v29 =	vadd.f32 v30, v29  }
0xee: {  	v30 =	vld [tilespmem:s24+$0x20];
	v63, _, _ =	vpop (xrf2);
	(xrf2) =	vadd.scan.msk.f32 $0xffff, v0  }
0xef: {  	v20 =	vmul.f32 v22, v20;
	v23 =	vadd.f32 v23, v29;
	v29 =	vld [tilespmem:s24+$0x90]  }
0xf0: {  	v41 =	vld [tilespmem:$0x1FF70];
	v2 =	vmul.f32 v24, v7;
	v25 =	vadd.f32 v26, v25;
	v26 =	vmul.f32 v62, v61  }
0xf1: {  	v24 =	vld [tilespmem:s26+$0xA0];
	v27, _, _ =	vpop (xrf2)  }
0xf2: {  	v7 =	vmul.f32 v18, v17;
	v18 =	vadd.f32 v2, v20;
	v20 =	vld [tilespmem:s24+$0x110];
	v25 =	vadd.f32 v26, v25;
	v11, _, _ =	vpop (xrf2);
	(xrf2) =	vadd.scan.msk.f32 $0xffff, v23  }
0xf3: {  	v15 =	vmul.f32 v21, v15;
	v17 =	vld [tilespmem:s24+$0xA0];
	v6 =	vadd.f32 v39, v37  }
0xf4: {  	v59 =	vld [tilespmem:$0x1FF10];
	v12 =	vadd.f32 v19, v25;
	v19 =	vmul.f32 v30, v28;
	v16 =	vmul.f32 v29, v16;
	v22, _, _ =	vpop (xrf2)  }
0xf5: {  	v13 =	vmul.f32 v44, v43;
	v6 =	vadd.f32 v6, v42;
	v23 =	vld [tilespmem:s24+$0xB0];
	v22 =	vbroadcast v22, $0xF  }
0xf6: {  	v10 =	vmul.f32 v41, v40;
	v2 =	vadd.f32 v19, v18;
	(xrf2) =	vadd.scan.msk.f32 $0xffff, v12;
	v7 =	vadd.f32 v16, v7;
	v16 =	vld [tilespmem:s24+$0x120]  }
0xf7: {  	v8 =	vmul.f32 v20, v45;
	v19 =	vld [tilespmem:s24+$0x130];
	v11 =	vbroadcast v11, $0xF;
	v12 =	vnsel vm0, $0x0, v22  }
0xf8: {  	v36 =	vld [tilespmem:$0x1FF20];
	v6 =	vadd.f32 v12, v6;
	v12 =	vadd.f32 v15, v2;
	v15 =	vmul.f32 v17, v24;
	v18, _, _ =	vpop (xrf2)  }
0xf9: {  	v8 =	vadd.f32 v8, v13;
	v11 =	vnsel vm1, $0x0, v11;
	v17 =	vld [tilespmem:s24+$0x190];
	v18 =	vbroadcast v18, $0xF  }
0xfa: {  	v57 =	vld [tilespmem:$0x1FF40];
	v5 =	vmul.f32 v23, v46;
	v6 =	vadd.f32 v11, v6;
	v7 =	vadd.f32 v15, v7;
	(xrf2) =	vadd.scan.msk.f32 $0xffff, v12  }
0xfb: {  	v13 =	vld [tilespmem:s24+$0x1A0];
	v15 =	vbroadcast v27, $0xF;
	v48 =	vmul.f32 v16, v14;
	v12 =	vnsel vm2, $0x0, v18  }
0xfc: {  	v3 =	vmul.f32 v19, v50;
	v6 =	vadd.f32 v12, v6;
	v5 =	vadd.f32 v5, v7;
	v12 =	vld [tilespmem:s24+$0x1D0];
	v14, _, _ =	vpop (xrf2)  }
0xfd: {  	v16 =	vld [tilespmem:s24+$0x1B0];
	v15 =	vnsel vm3, $0x0, v15;
	v7 =	vadd.f32 v48, v8;
	v14 =	vbroadcast v14, $0xF  }
0xfe: {  	v51 =	vld [tilespmem:s26+$0x1E0];
	v9 =	vmul.f32 v1, v36;
	v4 =	vmul.f32 v17, v49;
	v6 =	vadd.f32 v15, v6;
	(xrf2) =	vadd.scan.msk.f32 $0xffff, v5  }
0xff: {  	v53 =	vld [tilespmem:s24+$0x1E0];
	v3 =	vadd.f32 v3, v7;
	v52 =	vnsel vm4, $0x0, v14;
	v14 =	vbroadcast v63, $0xF  }
0x100: {  	v55 =	vld [tilespmem:s26+$0x1F0];
	v54 =	vmul.f32 v13, v47;
	v56, _, _ =	vpop (xrf2);
	v4 =	vadd.f32 v4, v10;
	v5 =	vadd.f32 v52, v6  }
0x101: {  	v11 =	vbroadcast v56, $0xF;
	v58 =	vmul.f32 v12, v57;
	v12 =	vld [tilespmem:s24+$0x1F0];
	v13 =	vnsel vm5, $0x0, v14  }
0x102: {  	v60 =	vmul.f32 v16, v59;
	(xrf2) =	vadd.scan.msk.f32 $0xffff, v3;
	v4 =	vadd.f32 v54, v4;
	v13 =	vadd.f32 v13, v5  }
0x103: {  	v62 =	vbroadcast v34, $0xF;
	v61 =	vnsel vm6, $0x0, v11;
	v2 =	vadd.f32 v58, v9  }
0x104: {  	v63 =	vmul.f32 v53, v51;
	v1 =	vadd.f32 v60, v4;
	v0, _, _ =	vpop (xrf2);
	v3 =	vadd.f32 v61, v13  }
0x105: {  	v6 =	vnsel vm7, $0x0, v62;
	v5 =	vbroadcast v0, $0xF  }
0x106: {  	v2 =	vadd.f32 v63, v2;
	(xrf2) =	vadd.scan.msk.f32 $0xffff, v1;
	v10 =	vmul.f32 v12, v55;
	v9 =	vadd.f32 v6, v3  }
0x107: {  	v33 =	vbroadcast v33, $0xF;
	v11 =	vnsel vm8, $0x0, v5  }
0x108: {  	v2 =	vadd.f32 v10, v2;
	v34, _, _ =	vpop (xrf2);
	v1 =	vadd.f32 v11, v9  }
0x109: {  	v35 =	vnsel vm9, $0x0, v33;
	v3 =	vbroadcast v34, $0xF  }
0x10a: {  	(xrf2) =	vadd.scan.msk.f32 $0xffff, v2;
	v1 =	vadd.f32 v35, v1  }
0x10b: {  	v37 =	vbroadcast v32, $0xF;
	v36 =	vnsel vm10, $0x0, v3  }
0x10c: {  	v38, _, _ =	vpop (xrf2);
	v1 =	vadd.f32 v36, v1  }
0x10d: {  	v3 =	vnsel vm11, $0x0, v37;
	v39 =	vbroadcast v38, $0xF  }
0x10e: {  	v1 =	vadd.f32 v3, v1  }
0x10f: {  	v41 =	vbroadcast v31, $0xF;
	v40 =	vnsel vm12, $0x0, v39  }
0x110: {  	v42, _, _ =	vpop (xrf2);
	v1 =	vadd.f32 v40, v1  }
0x111: {  	v3 =	vnsel vm13, $0x0, v41;
	v43 =	vbroadcast v42, $0xF  }
0x112: {  	v1 =	vadd.f32 v3, v1  }
0x113: {  	v44 =	vnsel vm14, $0x0, v43  }
0x114: {  	v45, _, _ =	vpop (xrf2);
	v1 =	vadd.f32 v44, v1  }
0x115: {  	v2 =	vsel vm15, $0x0, v45  }
0x116: {  	s30 =	sshra.s32 s29, $0x2;
	v1 =	vadd.f32 v2, v1  }
0x117: {  	v47 =	vld [tilespmem:s30+$0x10600]  }
0x118: {  	s26 =	sadd.s32 $0x400, s26;
	v46 =	vld [tilespmem:s30+$0x10400];
	[tilespmem:s23+$0x10800] =	vst v1  }
0x119: {  	v48 =	vld [tilespmem:s26+$0x1B0]  }
0x11a: {  	s24 =	sadd.s32 $0x400, s24;
	v49 =	vld [tilespmem:s26+$0x1C0]  }
0x11b: {  	v50 =	vld [tilespmem:s24+$0x1C0]  }
0x11c: {  	v51 =	vld [tilespmem:s26+$0x1D0]  }
0x11d: {  	v39 =	vld [tilespmem:s26+$0x170]  }
0x11e: {  	v40 =	vld [tilespmem:s24+$0x170]  }
0x11f: {  	v52 =	vld [tilespmem:s26+$0x130]  }
0x120: {  	v36 =	vld [tilespmem:s26+$0x160]  }
0x121: {  	v37 =	vld [tilespmem:s24+$0x160]  }
0x122: {  	v53 =	vld [tilespmem:s26+$0x180]  }
0x123: {  	v54 =	vld [tilespmem:s24+$0x180]  }
0x124: {  	v55 =	vld [tilespmem:s26+$0x190]  }
0x125: {  	v41 =	vld [tilespmem:s26+$0xF0]  }
0x126: {  	v42 =	vld [tilespmem:s24+$0xF0]  }
0x127: {  	v45 =	vld [tilespmem:s26+$0x140]  }
0x128: {  	v56 =	vld [tilespmem:s26+$0xB0]  }
0x129: {  	v57 =	vld [tilespmem:s26+$0x100]  }
0x12a: {  	v58 =	vld [tilespmem:s24+$0x100]  }
0x12b: {  	v59 =	vld [tilespmem:s26+$0x110]  }
0x12c: {  	v43 =	vld [tilespmem:s26+$0x70]  }
0x12d: {  	v44 =	vld [tilespmem:s24+$0x70]  }
0x12e: {  	v15 =	vld [tilespmem:s26+$0x30]  }
0x12f: {  	v17 =	vld [tilespmem:s26+$0x80]  }
0x130: {  	v18 =	vld [tilespmem:s24+$0x80]  }
0x131: {  	v16 =	vld [tilespmem:s26+$0x90]  }
0x132: {  	[tilespmem:$0x1FEF0] =	vst v46;
	v46 =	vld [tilespmem:s26+$0xFFFFFFF0]  }
0x133: {  	[tilespmem:$0x1FF00] =	vst v47;
	v47 =	vld [tilespmem:s24+$0xFFFFFFF0]  }
0x134: {  	v60 =	vld [tilespmem:s24+$0x40]  }
0x135: {  	v61 =	vld [tilespmem:s26+$0x50]  }
0x136: {  	v62 =	vld [tilespmem:s24+$0x50]  }
0x137: {  	v19 =	vld [tilespmem:s26+$0xFFFFFFB0]  }
0x138: {  	v21 =	vld [tilespmem:s24+$0xFFFFFFB0]  }
0x139: {  	v63 =	vld [tilespmem:s26+$0xFFFFFFE0]  }
0x13a: {  	v0 =	vld [tilespmem:s24+$0xFFFFFFE0]  }
0x13b: {  	v20 =	vld [tilespmem:s26+$0x0]  }
0x13c: {  	v22 =	vld [tilespmem:s24+$0x0]  }
0x13d: {  	v1 =	vld [tilespmem:s26+$0xFFFFFF70]  }
0x13e: {  	v2 =	vld [tilespmem:s24+$0xFFFFFF70]  }
0x13f: {  	v3 =	vld [tilespmem:s26+$0xFFFFFFC0]  }
0x140: {  	v4 =	vld [tilespmem:s24+$0xFFFFFFC0]  }
0x141: {  	v5 =	vld [tilespmem:s26+$0xFFFFFFD0]  }
0x142: {  	v6 =	vld [tilespmem:s24+$0xFFFFFFD0]  }
0x143: {  	v23 =	vld [tilespmem:s26+$0xFFFFFF30]  }
0x144: {  	v24 =	vld [tilespmem:s24+$0xFFFFFF30]  }
0x145: {  	v7 =	vld [tilespmem:s26+$0xFFFFFF60]  }
0x146: {  	v8 =	vld [tilespmem:s24+$0xFFFFFF60]  }
0x147: {  	v25 =	vld [tilespmem:s26+$0xFFFFFF80]  }
0x148: {  	v26 =	vld [tilespmem:s24+$0xFFFFFF80]  }
0x149: {  	v32 =	vld [tilespmem:s26+$0xFFFFFEF0]  }
0x14a: {  	v33 =	vld [tilespmem:s24+$0xFFFFFEF0]  }
0x14b: {  	v9 =	vld [tilespmem:s26+$0xFFFFFF40]  }
0x14c: {  	v10 =	vld [tilespmem:s24+$0xFFFFFF40]  }
0x14d: {  	v11 =	vld [tilespmem:s26+$0xFFFFFF50]  }
0x14e: {  	v12 =	vld [tilespmem:s24+$0xFFFFFF50]  }
0x14f: {  	v27 =	vld [tilespmem:s26+$0xFFFFFEB0]  }
0x150: {  	v28 =	vld [tilespmem:s24+$0xFFFFFEB0]  }
0x151: {  	v31 =	vld [tilespmem:s26+$0xFFFFFEE0]  }
0x152: {  	v38 =	vld [tilespmem:s24+$0xFFFFFEE0]  }
0x153: {  	v29 =	vld [tilespmem:s26+$0xFFFFFF00]  }
0x154: {  	v30 =	vld [tilespmem:s24+$0xFFFFFF00]  }
0x155: {  	v34 =	vld [tilespmem:s26+$0xFFFFFE70]  }
0x156: {  	v35 =	vld [tilespmem:s24+$0xFFFFFE70]  }
0x157: {  	v13 =	vld [tilespmem:s26+$0xFFFFFEC0]  }
0x158: {  	v14 =	vld [tilespmem:s24+$0xFFFFFEC0]  }
0x159: {  	[tilespmem:$0x1FF30] =	vst v50;
	v50 =	vld [tilespmem:s24+$0x140]  }
0x15a: {  	[tilespmem:$0x1FF40] =	vst v51;
	v51 =	vld [tilespmem:s26+$0x150]  }
0x15b: {  	[tilespmem:$0x1FF50] =	vst v52;
	v52 =	vld [tilespmem:s24+$0x150]  }
0x15c: {  	[tilespmem:$0x1FF10] =	vst v48;
	v48 =	vld [tilespmem:s26+$0xE0]  }
0x15d: {  	[tilespmem:$0x1FF20] =	vst v49;
	v49 =	vld [tilespmem:s24+$0xE0]  }
0x15e: {  	[tilespmem:$0x1FF60] =	vst v53;
	v53 =	vld [tilespmem:s26+$0xC0]  }
0x15f: {  	[tilespmem:$0x1FF70] =	vst v54;
	v54 =	vld [tilespmem:s24+$0xC0]  }
0x160: {  	[tilespmem:$0x1FF80] =	vst v55;
	v55 =	vld [tilespmem:s26+$0xD0]  }
0x161: {  	[tilespmem:$0x1FF90] =	vst v56;
	v56 =	vld [tilespmem:s24+$0xD0]  }
0x162: {  	[tilespmem:$0x1FFA0] =	vst v57;
	v57 =	vld [tilespmem:s26+$0x60]  }
0x163: {  	[tilespmem:$0x1FFB0] =	vst v58;
	v58 =	vld [tilespmem:s24+$0x60]  }
0x164: {  	[tilespmem:$0x1FFC0] =	vst v59;
	v59 =	vld [tilespmem:s26+$0x40]  }
0x165: {  	v42 =	vmul.f32 v42, v41;
	v41 =	vld [tilespmem:s26+$0xFFFFFE40]  }
0x166: {  	v44 =	vmul.f32 v44, v43;
	v43 =	vld [tilespmem:s26+$0xFFFFFE50]  }
0x167: {  	v45 =	vmul.f32 v50, v45;
	v50 =	vmul.f32 v52, v51;
	v51 =	vld [tilespmem:s26+$0xFFFFFED0]  }
0x168: {  	v61 =	vmul.f32 v62, v61;
	v52 =	vld [tilespmem:s24+$0xFFFFFED0];
	v53 =	vmul.f32 v54, v53  }
0x169: {  	v54 =	vmul.f32 v56, v55;
	v49 =	vmul.f32 v49, v48;
	v48 =	vld [tilespmem:s24+$0xFFFFFE60]  }
0x16a: {  	v60 =	vmul.f32 v60, v59;
	v45 =	vadd.f32 v50, v45;
	v50 =	vmul.f32 v37, v36;
	v36 =	vld [tilespmem:s26+$0xFFFFFE30]  }
0x16b: {  	v39 =	vmul.f32 v40, v39;
	v37 =	vld [tilespmem:s24+$0xFFFFFE30];
	v40 =	vadd.f32 v54, v53  }
0x16c: {  	v62 =	vmul.f32 v58, v57;
	v53 =	vadd.f32 v61, v60;
	v50 =	vadd.f32 v50, v45;
	v45 =	vld [tilespmem:s26+$0xFFFFFE60]  }
0x16d: {  	v3 =	vmul.f32 v4, v3;
	v57 =	vmul.f32 v6, v5;
	v49 =	vadd.f32 v49, v40;
	v40 =	vld [tilespmem:s24+$0xFFFFFE80]  }
0x16e: {  	v59 =	vadd.f32 v62, v53;
	v62 =	vmul.f32 v47, v46;
	v46 =	vld [tilespmem:s26+$0xFFFFFE00]  }
0x16f: {  	p0 =	sne.s32 s29, $0x7C0;
	v0 =	vmul.f32 v0, v63;
	v3 =	vadd.f32 v57, v3;
	v60 =	vmul.f32 v10, v9;
	v47 =	vld [tilespmem:s26+$0xFFFFFE10]  }
.Ltmp0:
0x170: {  	v61 =	vmul.f32 v12, v11;
	v55 =	vmul.f32 v52, v51;
	v51 =	vld [tilespmem:s24+$0xFFFFFE10];
	v50 =	vadd.f32 v39, v50;
	(pc) =	sbr.rel @p0 .LBB2_2-.Ltmp0, $4  }
0x171: {  	v0 =	vadd.f32 v0, v3;
	v39 =	vld [tilespmem:s26+$0xFFFFFE80];
	v58 =	vadd.f32 v42, v49  }
0x172: {  	v63 =	vmul.f32 v8, v7;
	v4 =	vadd.f32 v61, v60;
	v42 =	vld [tilespmem:s24+$0xFFFFFE40];
	v6 =	vadd.f32 v44, v59;
	(xrf2) =	vadd.scan.msk.f32 $0xffff, v50  }
0x173: {  	v54 =	vmul.f32 v14, v13;
	v49 =	vld [tilespmem:s24+$0xFFFFFE50];
	(xrf2) =	vadd.scan.msk.f32 $0xffff, v58  }
0x174: {  	s29 =	sadd.s32 $0x40, s29;
	s23 =	smov.u32 s30;
	v53 =	vmul.f32 v2, v1;
	v44 =	vld [tilespmem:s24+$0xFFFFFE00];
	v52 =	vadd.f32 v63, v4;
	v50 =	vadd.f32 v62, v0;
	(xrf2) =	vadd.scan.msk.f32 $0xffff, v6  }
0x175: {  	v0 =	vld [tilespmem:s26+$0xFFFFFE20]  }
0x176: {  	v1 =	vld [tilespmem:s24+$0xFFFFFE20]  }
0x177: {  	v5 =	vld [tilespmem:s26+$0xFFFFFE90]  }
0x178: {  	v8 =	vld [tilespmem:s24+$0xFFFFFE90]  }
0x179: {  	v10 =	vld [tilespmem:s26+$0xFFFFFEA0]  }
0x17a: {  	v12 =	vld [tilespmem:s24+$0xFFFFFEA0]  }
0x17b: {  	v57 =	vld [tilespmem:s26+$0xFFFFFF10]  }
0x17c: {  	v60 =	vld [tilespmem:s24+$0xFFFFFF10]  }
0x17d: {  	v62 =	vld [tilespmem:s26+$0xFFFFFF20]  }
0x17e: {  	v63 =	vld [tilespmem:s24+$0xFFFFFF20]  }
0x17f: {  	v14 =	vld [tilespmem:s26+$0xFFFFFF90]  }
0x180: {  	v27 =	vmul.f32 v28, v27;
	v28 =	vld [tilespmem:s24+$0xFFFFFF90]  }
0x181: {  	v29 =	vmul.f32 v30, v29;
	v30 =	vld [tilespmem:s26+$0xFFFFFFA0]  }
0x182: {  	v3 =	vmul.f32 v38, v31;
	v31 =	vld [tilespmem:s24+$0xFFFFFFA0]  }
0x183: {  	v7 =	vmul.f32 v33, v32;
	v33 =	vld [tilespmem:s26+$0x10]  }
0x184: {  	v58 =	vmul.f32 v35, v34;
	v35 =	vld [tilespmem:s24+$0x10]  }
0x185: {  	v59 =	vmul.f32 v37, v36;
	v37 =	vld [tilespmem:s26+$0x20]  }
0x186: {  	v56 =	vmul.f32 v48, v45;
	v38 =	vld [tilespmem:s24+$0x20]  }
0x187: {  	v45 =	vld [tilespmem:s26+$0xA0];
	v4 =	vmul.f32 v42, v41;
	v6 =	vmul.f32 v49, v43  }
0x188: {  	v2 =	vadd.f32 v55, v54;
	v9 =	vmul.f32 v51, v47;
	v47 =	vld [tilespmem:$0x1FEF0];
	v55 =	vmul.f32 v44, v46  }
0x189: {  	v34 =	vmul.f32 v24, v23;
	v48 =	vld [tilespmem:$0x1FF00];
	v11 =	vadd.f32 v53, v52;
	v4 =	vadd.f32 v6, v4  }
0x18a: {  	v51 =	vld [tilespmem:$0x1FF70];
	v2 =	vadd.f32 v3, v2;
	v0 =	vmul.f32 v1, v0;
	v3 =	vadd.f32 v9, v55  }
0x18b: {  	v24 =	vld [tilespmem:$0x1FFC0];
	v61 =	vmul.f32 v40, v39;
	v5 =	vmul.f32 v8, v5;
	v4 =	vadd.f32 v56, v4  }
0x18c: {  	v36 =	vmul.f32 v26, v25;
	v25 =	vld [tilespmem:s24+$0x130];
	(xrf2) =	vadd.scan.msk.f32 $0xffff, v50;
	v2 =	vadd.f32 v7, v2;
	v0 =	vadd.f32 v0, v3  }
0x18d: {  	v39 =	vld [tilespmem:s24+$0x90];
	(xrf2) =	vadd.scan.msk.f32 $0xffff, v11;
	v13 =	vmul.f32 v12, v10;
	v11 =	vadd.f32 v5, v61;
	v4 =	vadd.f32 v58, v4  }
0x18e: {  	v50 =	vld [tilespmem:$0x1FF60];
	(xrf2) =	vadd.scan.msk.f32 $0xffff, v2;
	v0 =	vadd.f32 v59, v0  }
0x18f: {  	v53 =	vld [tilespmem:s24+$0x110];
	v2 =	vadd.f32 v13, v11;
	(xrf2) =	vadd.scan.msk.f32 $0xffff, v4  }
0x190: {  	v41 =	vld [tilespmem:$0x1FF20];
	v1 =	vmul.f32 v60, v57;
	(xrf2) =	vadd.scan.msk.f32 $0xffff, v0  }
0x191: {  	v42 =	vld [tilespmem:$0x1FF30];
	v2 =	vadd.f32 v27, v2  }
0x192: {  	v49 =	vld [tilespmem:s24+$0xA0];
	v32 =	vmul.f32 v63, v62;
	v1 =	vadd.f32 v1, v29  }
0x193: {  	v60 =	vld [tilespmem:s26+$0x120];
	v6, _, _ =	vpop (xrf2)  }
0x194: {  	v62 =	vld [tilespmem:s24+$0x120];
	v5 =	vmul.f32 v28, v14;
	v1 =	vadd.f32 v32, v1;
	v11, _, _ =	vpop (xrf2);
	(xrf2) =	vadd.scan.msk.f32 $0xffff, v2  }
0x195: {  	v52 =	vmul.f32 v38, v37;
	v37 =	vld [tilespmem:$0x1FF50];
	v2, _, _ =	vpop (xrf2)  }
0x196: {  	v55 =	vld [tilespmem:$0x1FEE0];
	v3 =	vadd.f32 v5, v36;
	v1 =	vadd.f32 v34, v1;
	v0 =	vmul.f32 v31, v30;
	v13, _, _ =	vpop (xrf2)  }
0x197: {  	v17 =	vmul.f32 v18, v17;
	v40 =	vmul.f32 v21, v19;
	v14 =	vld [tilespmem:s24+$0x30];
	v8, _, _ =	vpop (xrf2)  }
0x198: {  	v44 =	vmul.f32 v22, v20;
	v56 =	vld [tilespmem:s24+$0xB0];
	v4 =	vmul.f32 v35, v33;
	v0 =	vadd.f32 v0, v3;
	(xrf2) =	vadd.scan.msk.f32 $0xffff, v1;
	v43, _, _ =	vpop (xrf2)  }
0x199: {  	v20 =	vadd.f32 v48, v47;
	v22 =	vmul.f32 v51, v50;
	v7 =	vmul.f32 v53, v24;
	v58 =	vld [tilespmem:$0x1FFA0];
	v46, _, _ =	vpop (xrf2)  }
0x19a: {  	v19 =	vmul.f32 v42, v41;
	v59 =	vld [tilespmem:$0x1FFB0];
	v3 =	vadd.f32 v4, v44;
	v0 =	vadd.f32 v40, v0;
	v54, _, _ =	vpop (xrf2)  }
0x19b: {  	v5 =	vmul.f32 v39, v16;
	v27 =	vld [tilespmem:$0x1FF90];
	v9 =	vbroadcast v54, $0xF  }
0x19c: {  	v48 =	vld [tilespmem:$0x1FF10];
	v12 =	vadd.f32 v20, v55;
	v57 =	vmul.f32 v14, v15;
	v3 =	vadd.f32 v52, v3;
	(xrf2) =	vadd.scan.msk.f32 $0xffff, v0  }
0x19d: {  	v5 =	vadd.f32 v5, v17;
	v20 =	vld [tilespmem:s24+$0x190];
	v1 =	vbroadcast v46, $0xF;
	v61 =	vnsel vm0, $0x0, v9  }
0x19e: {  	v63 =	vmul.f32 v49, v45;
	v35 =	vld [tilespmem:$0x1FF80];
	v3 =	vadd.f32 v57, v3;
	v23, _, _ =	vpop (xrf2);
	v0 =	vadd.f32 v61, v12  }
0x19f: {  	v28 =	vld [tilespmem:s26+$0x1A0];
	v14 =	vmul.f32 v59, v58;
	v1 =	vnsel vm1, $0x0, v1;
	v12 =	vbroadcast v23, $0xF  }
0x1a0: {  	v33 =	vld [tilespmem:s24+$0x1D0];
	v26 =	vadd.f32 v63, v5;
	v4 =	vmul.f32 v56, v27;
	(xrf2) =	vadd.scan.msk.f32 $0xffff, v3;
	v0 =	vadd.f32 v1, v0  }
0x1a1: {  	v31 =	vld [tilespmem:s24+$0x1A0];
	v7 =	vadd.f32 v7, v14;
	v30 =	vbroadcast v43, $0xF;
	v29 =	vnsel vm2, $0x0, v12  }
0x1a2: {  	v32 =	vmul.f32 v62, v60;
	v46 =	vld [tilespmem:$0x1FF40];
	v34, _, _ =	vpop (xrf2);
	v1 =	vadd.f32 v4, v26;
	v0 =	vadd.f32 v29, v0  }
0x1a3: {  	v36 =	vld [tilespmem:s24+$0x1B0];
	v10 =	vmul.f32 v20, v35;
	v9 =	vbroadcast v34, $0xF;
	v12 =	vnsel vm3, $0x0, v30  }
0x1a4: {  	v38 =	vld [tilespmem:s26+$0x1E0];
	v3 =	vadd.f32 v32, v7;
	v7 =	vmul.f32 v25, v37;
	(xrf2) =	vadd.scan.msk.f32 $0xffff, v1;
	v0 =	vadd.f32 v12, v0  }
0x1a5: {  	v41 =	vld [tilespmem:s24+$0x1E0];
	v8 =	vbroadcast v8, $0xF;
	v40 =	vadd.f32 v10, v22;
	v39 =	vnsel vm4, $0x0, v9  }
0x1a6: {  	v47 =	vld [tilespmem:s24+$0x1F0];
	v43 =	vmul.f32 v31, v28;
	v42 =	vadd.f32 v7, v3;
	v45, _, _ =	vpop (xrf2);
	v0 =	vadd.f32 v39, v0  }
0x1a7: {  	v44 =	vld [tilespmem:s26+$0x1F0];
	v8 =	vnsel vm5, $0x0, v8;
	v4 =	vmul.f32 v33, v46;
	v7 =	vbroadcast v45, $0xF  }
0x1a8: {  	v3 =	vadd.f32 v43, v40;
	(xrf2) =	vadd.scan.msk.f32 $0xffff, v42;
	v0 =	vadd.f32 v8, v0;
	v8 =	vmul.f32 v36, v48  }
0x1a9: {  	v50 =	vbroadcast v13, $0xF;
	v4 =	vadd.f32 v4, v19;
	v49 =	vnsel vm6, $0x0, v7  }
0x1aa: {  	v52 =	vmul.f32 v41, v38;
	v53, _, _ =	vpop (xrf2);
	v0 =	vadd.f32 v49, v0;
	v51 =	vadd.f32 v8, v3  }
0x1ab: {  	v7 =	vnsel vm7, $0x0, v50;
	v8 =	vbroadcast v53, $0xF  }
0x1ac: {  	v54 =	vmul.f32 v47, v44;
	v3 =	vadd.f32 v52, v4;
	v0 =	vadd.f32 v7, v0;
	(xrf2) =	vadd.scan.msk.f32 $0xffff, v51  }
0x1ad: {  	v2 =	vbroadcast v2, $0xF;
	v55 =	vnsel vm8, $0x0, v8  }
0x1ae: {  	v56 =	vadd.f32 v54, v3;
	v57, _, _ =	vpop (xrf2);
	v0 =	vadd.f32 v55, v0  }
0x1af: {  	v2 =	vnsel vm9, $0x0, v2;
	v3 =	vbroadcast v57, $0xF  }
0x1b0: {  	(xrf2) =	vadd.scan.msk.f32 $0xffff, v56;
	v0 =	vadd.f32 v2, v0  }
0x1b1: {  	v59 =	vbroadcast v11, $0xF;
	v58 =	vnsel vm10, $0x0, v3  }
0x1b2: {  	v60, _, _ =	vpop (xrf2);
	v0 =	vadd.f32 v58, v0  }
0x1b3: {  	v1 =	vbroadcast v60, $0xF;
	v2 =	vnsel vm11, $0x0, v59  }
0x1b4: {  	v0 =	vadd.f32 v2, v0  }
0x1b5: {  	v61 =	vbroadcast v6, $0xF;
	v1 =	vnsel vm12, $0x0, v1  }
0x1b6: {  	v0 =	vadd.f32 v1, v0;
	v62, _, _ =	vpop (xrf2)  }
0x1b7: {  	v2 =	vnsel vm13, $0x0, v61;
	v1 =	vbroadcast v62, $0xF  }
0x1b8: {  	v0 =	vadd.f32 v2, v0  }
0x1b9: {  	v1 =	vnsel vm14, $0x0, v1  }
0x1ba: {  	v63, _, _ =	vpop (xrf2);
	v0 =	vadd.f32 v1, v0  }
0x1bb: {  	v1 =	vsel vm15, $0x0, v63  }
0x1bc: {  	s22 =	sadd.s32 $0x1, s22;
	v0 =	vadd.f32 v1, v0  }
0x1bd: {  	p0 =	sne.s32 s22, s11  }
.Ltmp1:
0x1be: {  	[tilespmem:s23+$0x10800] =	vst v0;
	(pc) =	sbr.rel @p0 .LBB2_1-.Ltmp1, $4  }
0x1bf: {  	[hbm4b:s10+s1] =	stream.linear.scatter [tilespmem:s20], [sflag:$0x2], $0x200, $0x38;
	[tilespmem:$0x10A10] =	vst v63  }
0x1c0: {  	_ =	swait.ge [sflag:s13], $0x200  }
0x1c1: {  	[sflag:s13] =	ssyncset.done $0x0  }
0x1c2: {  	[sflag:s13] =	ssyncadd.s32 $0xFFFFFE00  }
0x1c3: {  	_ =	sfence.sel $0x180000  }
0x1c4: {  	[bflag:$0x0] =	sbarrier.arrive $0xFFFF  }
0x1c5: {  	_ =	strace $0x90000047  }
0x1c6: {  	s0 =	stileid.u32;
	[bflag:$0x2] =	sbarrier.arrive $0xFFFF  }
0x1c7: {  	p0 =	sne.s32 s0, $0x0;
	s0 =	rddreg [dreg:$0x4]  }
0x1c8: {  	s0 =	sadd.s32 @!p0 $0x100000, s0  }
0x1c9: {  	[sflag:s0] =	ssyncadd.tile.s32 @!p0 $0x1;
	_ =	shalt  }
.Lfunc_end2:
_tile_overlayer_lowered:
.L_overlay_start_2:
0x1ca: {  	(tag) =	ssettag $0x2  }
0x1cb: {  	s0 =	rddreg [dreg:$0x0];
	s2 =	stileid.u32  }
0x1cc: {  	s1 =	rddreg [dreg:$0x1];
	p0 =	sne.s32 s2, $0x0  }
0x1cd: {  	s3 =	rddreg [dreg:$0x2];
	[bflag:$0x3] =	sbarrier.arrive $0xFFFF;
	s2 =	simm.s32 @!p0 $0x1C02  }
0x1ce: {  	[timem:s3], [sflag:s2] =	dma.local @!p0 [hbm:s0], s1  }
0x1cf: {  	s0 =	simm.s32 @!p0 $0x2  }
0x1d0: {  	_ =	swait.ge @!p0 [sflag:s0], s1  }
0x1d1: {  	s1 =	ssub.s32 @!p0 $0x0, s1;
	[sflag:s0] =	ssyncset.done @!p0 $0x0  }
0x1d2: {  	[sflag:s0] =	ssyncadd.s32 @!p0 s1  }
0x1d3: {  	[bflag:$0x3] =	sbarrier.arrive $0xFFFF  }
0x1d4: {  	_ =	shalt  }

</sc_bundles>
